<compile_context>
chip_gen: v7x
topology: tpu7x:2x2x1
jax: 0.10.2.dev20260603
libtpu: 0.0.44.dev20260713+nightly
codegen_flags: <defaults>
</compile_context>

<pallas_src>
import functools

import jax
import jax.numpy as jnp
from jax import lax
from jax.experimental import pallas as pl
from jax.experimental.pallas import tpu as pltpu
from jax.experimental.pallas import tpu_sc as plsc

N = 10000
E = 320000
D = 128

NC, NS = 2, 16
NW = NC * NS
CHUNK = 128
NCHUNK = 80
EPW = NCHUNK * CHUNK
E_PAD = EPW * NW
NPAD = 10240
RPW = NPAD // NS
CHA = 64
NCHA = EPW // CHA
GC = 40
NGRP = NCHA // GC

_mesh = plsc.VectorSubcoreMesh(
    core_axis_name="c", subcore_axis_name="s", num_cores=NC, num_subcores=NS
)


WD = 128


@functools.partial(
    pl.kernel,
    out_type=jax.ShapeDtypeStruct((NC, NPAD, WD), jnp.float32),
    mesh=_mesh,
    scratch_types=[
        pltpu.VMEM((NCHUNK, CHUNK), jnp.int32),
        pltpu.VMEM((CHUNK, WD), jnp.float32),
        [pltpu.SemaphoreType.DMA for _ in range(2)],
        pltpu.VMEM_SHARED((NPAD, WD), jnp.float32),
    ],
)
def _deg_kernel(dst_hbm, zeros_hbm, ones_hbm, acc_out, idx_v, ones_v, sems, acc_sh):
    cid = lax.axis_index("c")
    sid = lax.axis_index("s")
    wid = cid * NS + sid

    pltpu.sync_copy(ones_hbm, ones_v)
    pltpu.sync_copy(
        zeros_hbm.at[pl.ds(sid * RPW, RPW)], acc_sh.at[pl.ds(sid * RPW, RPW)]
    )
    pltpu.sync_copy(dst_hbm.at[wid], idx_v)
    plsc.subcore_barrier()

    def body(jj, carry):
        j = jj * 2
        pltpu.async_copy(ones_v, acc_sh.at[idx_v.at[j + 1]], sems[1], add=True)
        pltpu.make_async_copy(ones_v, acc_sh.at[idx_v.at[j]], sems[0]).wait()

        @pl.when(j + 2 < NCHUNK)
        def _():
            pltpu.async_copy(ones_v, acc_sh.at[idx_v.at[j + 2]], sems[0], add=True)

        pltpu.make_async_copy(ones_v, acc_sh.at[idx_v.at[j + 1]], sems[1]).wait()
        return carry

    pltpu.async_copy(ones_v, acc_sh.at[idx_v.at[0]], sems[0], add=True)
    lax.fori_loop(0, NCHUNK // 2, body, 0)
    plsc.subcore_barrier()
    pltpu.sync_copy(
        acc_sh.at[pl.ds(sid * RPW, RPW)], acc_out.at[cid, pl.ds(sid * RPW, RPW)]
    )


@functools.partial(
    pl.kernel,
    out_type=jax.ShapeDtypeStruct((NC, NPAD, D), jnp.float32),
    mesh=_mesh,
    scratch_types=[
        pltpu.VMEM((GC, CHA), jnp.int32),
        pltpu.VMEM((GC, CHA), jnp.int32),
        [pltpu.VMEM((CHA, D), jnp.float32) for _ in range(4)],
        [pltpu.SemaphoreType.DMA for _ in range(4)],
        [pltpu.SemaphoreType.DMA for _ in range(4)],
        pltpu.VMEM_SHARED((NPAD, D), jnp.float32),
    ],
)
def _agg_kernel(
    src_hbm, dst_hbm, hs_hbm, zeros_hbm, part_out,
    src_v, dst_v, bufs, sems, ssems, acc_sh,
):
    cid = lax.axis_index("c")
    sid = lax.axis_index("s")
    wid = cid * NS + sid

    pltpu.sync_copy(
        zeros_hbm.at[pl.ds(sid * RPW, RPW)], acc_sh.at[pl.ds(sid * RPW, RPW)]
    )
    plsc.subcore_barrier()

    def group(g, carry):
        pltpu.sync_copy(src_hbm.at[wid, pl.ds(g * GC, GC)], src_v)
        pltpu.sync_copy(dst_hbm.at[wid, pl.ds(g * GC, GC)], dst_v)
        for b in range(3):
            pltpu.async_copy(hs_hbm.at[src_v.at[b]], bufs[b], sems[b])

        def body(jj, carry2):
            for b4 in range(4):
                j = jj * 4 + b4
                bn = (b4 + 3) % 4
                pltpu.make_async_copy(
                    hs_hbm.at[src_v.at[j]], bufs[b4], sems[b4]
                ).wait()

                @pl.when(jnp.logical_and(j + 3 < GC, j >= 1))
                def _():
                    pltpu.make_async_copy(
                        bufs[bn], acc_sh.at[dst_v.at[0]], ssems[bn]
                    ).wait()

                @pl.when(j + 3 < GC)
                def _():
                    pltpu.async_copy(
                        hs_hbm.at[src_v.at[j + 3]], bufs[bn], sems[bn]
                    )

                pltpu.async_copy(
                    bufs[b4], acc_sh.at[dst_v.at[j]], ssems[b4], add=True
                )
            return carry2

        lax.fori_loop(0, GC // 4, body, 0)
        for b in range(4):
            pltpu.make_async_copy(bufs[b], acc_sh.at[dst_v.at[0]], ssems[b]).wait()
        return carry

    lax.fori_loop(0, NGRP, group, 0)
    plsc.subcore_barrier()
    pltpu.sync_copy(
        acc_sh.at[pl.ds(sid * RPW, RPW)], part_out.at[cid, pl.ds(sid * RPW, RPW)]
    )


_RB = 2000


def _hs_body(x_ref, w_ref, dega_ref, hs_ref):
    h = jnp.dot(x_ref[...], w_ref[...], preferred_element_type=jnp.float32)
    deg = dega_ref[0, :, 0] + dega_ref[1, :, 0] + 1.0
    dis = lax.rsqrt(deg)
    hs_ref[...] = h * dis[:, None]


def _out_body(p_ref, hs_ref, dega_ref, b_ref, o_ref):
    deg = dega_ref[0, :, 0] + dega_ref[1, :, 0] + 1.0
    dis = lax.rsqrt(deg)
    s = p_ref[0] + p_ref[1] + hs_ref[...]
    o_ref[...] = s * dis[:, None] + b_ref[...]


def kernel(x, edge_index, W, b):
    src = edge_index[0].astype(jnp.int32)
    dst = edge_index[1].astype(jnp.int32)
    pad = E_PAD - E
    pad_idx = jnp.arange(pad, dtype=jnp.int32)
    src_p = jnp.concatenate([src, pad_idx % N]).reshape(NW, NCHUNK, CHUNK)
    dst_p = jnp.concatenate([dst, N + pad_idx % (NPAD - N)]).reshape(
        NW, NCHUNK, CHUNK
    )
    zerosW = jnp.zeros((NPAD, WD), jnp.float32)
    zerosD = jnp.zeros((NPAD, D), jnp.float32)
    onesW = jnp.ones((CHUNK, WD), jnp.float32)

    dega = _deg_kernel(dst_p, zerosW, onesW)

    hs = pl.pallas_call(
        _hs_body,
        grid=(N // _RB,),
        in_specs=[
            pl.BlockSpec((_RB, D), lambda i: (i, 0)),
            pl.BlockSpec((D, D), lambda i: (0, 0)),
            pl.BlockSpec((NC, _RB, WD), lambda i: (0, i, 0)),
        ],
        out_specs=pl.BlockSpec((_RB, D), lambda i: (i, 0)),
        out_shape=jax.ShapeDtypeStruct((N, D), jnp.float32),
    )(x, W, dega)

    parts = _agg_kernel(
        src_p.reshape(NW, NCHA, CHA), dst_p.reshape(NW, NCHA, CHA), hs, zerosD
    )

    out = pl.pallas_call(
        _out_body,
        grid=(N // _RB,),
        in_specs=[
            pl.BlockSpec((NC, _RB, D), lambda i: (0, i, 0)),
            pl.BlockSpec((_RB, D), lambda i: (i, 0)),
            pl.BlockSpec((NC, _RB, WD), lambda i: (0, i, 0)),
            pl.BlockSpec((1, D), lambda i: (0, 0)),
        ],
        out_specs=pl.BlockSpec((_RB, D), lambda i: (i, 0)),
        out_shape=jax.ShapeDtypeStruct((N, D), jnp.float32),
    )(parts, hs, dega, b.reshape(1, D))
    return out

# --- scband reference (transcript-rebuilt; emitter-appended) ---
"""Pipeline reference for scband-gcnlayer-74036646248900 (READ-ONLY COPY).

The authoritative reference and input builder live on the scoring server;
editing this copy changes nothing except your own understanding.
"""

import jax, jax.numpy as jnp
import numpy as np

N_NODES = 10000
N_EDGES = 320000
IN_CH = 128
OUT_CH = 128


def setup_inputs(seed: int = 0) -> dict:
    key = jax.random.key(seed)
    k1, k2, k3, k4 = jax.random.split(key, 4)
    x = jax.random.normal(k1, (N_NODES, IN_CH), dtype=jnp.float32)
    edge_index = jax.random.randint(k2, (2, N_EDGES), 0, N_NODES, dtype=jnp.int64)
    # GCNConv learned parameters (Glorot-style init for weight, zeros for bias)
    scale = float(np.sqrt(6.0 / (IN_CH + OUT_CH)))
    W = jax.random.uniform(k3, (IN_CH, OUT_CH), dtype=jnp.float32, minval=-scale, maxval=scale)
    b = jnp.zeros((OUT_CH,), dtype=jnp.float32)
    return {"x": x, "edge_index": edge_index, "W": W, "b": b}


def reference(x, edge_index, W, b):
    # Faithful GCNConv (torch_geometric) semantics:
    # add self-loops, symmetric normalization D^{-1/2} A D^{-1/2}, linear transform, scatter-add aggregation, bias.
    N = x.shape[0]
    loop = jnp.arange(N, dtype=edge_index.dtype)
    src = jnp.concatenate([edge_index[0], loop])
    dst = jnp.concatenate([edge_index[1], loop])
    # degree on destination nodes (includes self-loops), edge_weight = 1.0
    deg = jnp.zeros((N,), dtype=x.dtype).at[dst].add(1.0)
    deg_inv_sqrt = jnp.where(deg > 0, 1.0 / jnp.sqrt(deg), 0.0)
    norm = deg_inv_sqrt[src] * deg_inv_sqrt[dst]
    # linear transform then message passing
    h = x @ W
    msg = h[src] * norm[:, None]
    out = jnp.zeros((N, W.shape[1]), dtype=x.dtype).at[dst].add(msg)
    out = out + b
    return out

if __name__ == "__main__":
    import jax
    _d = setup_inputs()
    print(jax.jit(kernel)(*tuple(_d.values())))

</pallas_src>

<mosaic_0001>
#map = affine_map<(d0, d1) -> (0, 0, 0)>
#map1 = affine_map<(d0, d1) -> (0, 0)>
module attributes {stable_mosaic.version = 14 : i64} {
  func.func @_deg_kernel(%arg0: i32, %arg1: i32, %arg2: memref<32x80x128xi32, #tpu.memory_space<hbm>>, %arg3: memref<10240x128xf32, #tpu.memory_space<hbm>>, %arg4: memref<128x128xf32, #tpu.memory_space<hbm>>, %arg5: memref<2x10240x128xf32, #tpu.memory_space<hbm>>, %arg6: memref<80x128xi32, #tpu.memory_space<vmem>>, %arg7: memref<128x128xf32, #tpu.memory_space<vmem>>, %arg8: memref<!tpu.dma_semaphore, #tpu.memory_space<semaphore_mem>>, %arg9: memref<!tpu.dma_semaphore, #tpu.memory_space<semaphore_mem>>, %arg10: memref<10240x128xf32, #tpu.memory_space<vmem_shared>>) attributes {dimension_semantics = [#tpu.dimension_semantics<core_parallel>, #tpu.dimension_semantics<subcore_parallel>], iteration_bounds = array<i64: 2, 16>, scalar_prefetch = 0 : i64, scratch_operands = 5 : i64, tpu.core_type = #tpu.core_type<sc_vector_subcore>, window_params = [{transform_indices = #map}, {transform_indices = #map1}, {transform_indices = #map1}, {transform_indices = #map}]} {
    %mul3A = arith.constant 16 : i32
    %mul3A_0 = arith.muli %arg0, %mul3A : i32
    %add3A = arith.addi %mul3A_0, %arg1 : i32
    "tpu.region"() ({
      %run_scoped3A = tpu.sem_alloc : memref<!tpu.dma_semaphore, #tpu.memory_space<semaphore_mem>>
      tpu.enqueue_dma source(%arg4 : memref<128x128xf32, #tpu.memory_space<hbm>>) target(%arg7 : memref<128x128xf32, #tpu.memory_space<vmem>>) target_semaphore(%run_scoped3A : memref<!tpu.dma_semaphore, #tpu.memory_space<semaphore_mem>>)
      tpu.wait_dma2 semaphore(%run_scoped3A : memref<!tpu.dma_semaphore, #tpu.memory_space<semaphore_mem>>) src(%arg4 : memref<128x128xf32, #tpu.memory_space<hbm>>) dst(%arg7 : memref<128x128xf32, #tpu.memory_space<vmem>>)
      tpu.yield
    }) : () -> ()
    %mul3A_1 = arith.constant 640 : i32
    %mul3A_2 = arith.muli %arg1, %mul3A_1 : i32
    %mul3A_3 = arith.constant 640 : i32
    %mul3A_4 = arith.muli %arg1, %mul3A_3 : i32
    "tpu.region"() ({
      %run_scoped3A = tpu.sem_alloc : memref<!tpu.dma_semaphore, #tpu.memory_space<semaphore_mem>>
      %dma_start3A_21 = arith.constant 0 : i32
      %dma_start3A_22 = tpu.memref_slice %arg10[%mul3A_4, %dma_start3A_21] : memref<10240x128xf32, #tpu.memory_space<vmem_shared>> -> memref<640x128xf32, #tpu.memory_space<vmem_shared>>
      %dma_start3A_23 = arith.constant 0 : i32
      %dma_start3A_24 = tpu.memref_slice %arg3[%mul3A_2, %dma_start3A_23] : memref<10240x128xf32, #tpu.memory_space<hbm>> -> memref<640x128xf32, #tpu.memory_space<hbm>>
      tpu.enqueue_dma source(%dma_start3A_24 : memref<640x128xf32, #tpu.memory_space<hbm>>) target(%dma_start3A_22 : memref<640x128xf32, #tpu.memory_space<vmem_shared>>) target_semaphore(%run_scoped3A : memref<!tpu.dma_semaphore, #tpu.memory_space<semaphore_mem>>)
      %dma_wait3A = arith.constant 0 : i32
      %dma_wait3A_25 = tpu.memref_slice %arg10[%mul3A_4, %dma_wait3A] : memref<10240x128xf32, #tpu.memory_space<vmem_shared>> -> memref<640x128xf32, #tpu.memory_space<vmem_shared>>
      %dma_wait3A_26 = arith.constant 0 : i32
      %dma_wait3A_27 = tpu.memref_slice %arg3[%mul3A_2, %dma_wait3A_26] : memref<10240x128xf32, #tpu.memory_space<hbm>> -> memref<640x128xf32, #tpu.memory_space<hbm>>
      tpu.wait_dma2 semaphore(%run_scoped3A : memref<!tpu.dma_semaphore, #tpu.memory_space<semaphore_mem>>) src(%dma_wait3A_27 : memref<640x128xf32, #tpu.memory_space<hbm>>) dst(%dma_wait3A_25 : memref<640x128xf32, #tpu.memory_space<vmem_shared>>)
      tpu.yield
    }) : () -> ()
    "tpu.region"() ({
      %run_scoped3A = tpu.sem_alloc : memref<!tpu.dma_semaphore, #tpu.memory_space<semaphore_mem>>
      %dma_start3A_21 = arith.constant 0 : i32
      %dma_start3A_22 = arith.constant 0 : i32
      %dma_start3A_23 = tpu.memref_slice %arg2[%add3A, %dma_start3A_21, %dma_start3A_22] : memref<32x80x128xi32, #tpu.memory_space<hbm>> -> memref<1x80x128xi32, #tpu.memory_space<hbm>>
      %dma_start3A_24 = tpu.memref_squeeze %dma_start3A_23 : memref<1x80x128xi32, #tpu.memory_space<hbm>> -> memref<80x128xi32, #tpu.memory_space<hbm>>
      %dma_start3A_25 = arith.constant 0 : i32
      %dma_start3A_26 = arith.constant 0 : i32
      %dma_start3A_27 = tpu.memref_slice %arg2[%add3A, %dma_start3A_25, %dma_start3A_26] : memref<32x80x128xi32, #tpu.memory_space<hbm>> -> memref<1x80x128xi32, #tpu.memory_space<hbm>>
      %dma_start3A_28 = tpu.memref_squeeze %dma_start3A_27 : memref<1x80x128xi32, #tpu.memory_space<hbm>> -> memref<80x128xi32, #tpu.memory_space<hbm>>
      tpu.enqueue_dma source(%dma_start3A_28 : memref<80x128xi32, #tpu.memory_space<hbm>>) target(%arg6 : memref<80x128xi32, #tpu.memory_space<vmem>>) target_semaphore(%run_scoped3A : memref<!tpu.dma_semaphore, #tpu.memory_space<semaphore_mem>>)
      %dma_wait3A = arith.constant 0 : i32
      %dma_wait3A_29 = arith.constant 0 : i32
      %dma_wait3A_30 = tpu.memref_slice %arg2[%add3A, %dma_wait3A, %dma_wait3A_29] : memref<32x80x128xi32, #tpu.memory_space<hbm>> -> memref<1x80x128xi32, #tpu.memory_space<hbm>>
      %dma_wait3A_31 = tpu.memref_squeeze %dma_wait3A_30 : memref<1x80x128xi32, #tpu.memory_space<hbm>> -> memref<80x128xi32, #tpu.memory_space<hbm>>
      %dma_wait3A_32 = arith.constant 0 : i32
      %dma_wait3A_33 = arith.constant 0 : i32
      %dma_wait3A_34 = tpu.memref_slice %arg2[%add3A, %dma_wait3A_32, %dma_wait3A_33] : memref<32x80x128xi32, #tpu.memory_space<hbm>> -> memref<1x80x128xi32, #tpu.memory_space<hbm>>
      %dma_wait3A_35 = tpu.memref_squeeze %dma_wait3A_34 : memref<1x80x128xi32, #tpu.memory_space<hbm>> -> memref<80x128xi32, #tpu.memory_space<hbm>>
      tpu.wait_dma2 semaphore(%run_scoped3A : memref<!tpu.dma_semaphore, #tpu.memory_space<semaphore_mem>>) src(%dma_wait3A_35 : memref<80x128xi32, #tpu.memory_space<hbm>>) dst(%arg6 : memref<80x128xi32, #tpu.memory_space<vmem>>)
      tpu.yield
    }) : () -> ()
    %barrier3A = arith.constant 0 : index
    tpu.barrier barrier_id(%barrier3A)
    %dma_start3A = arith.constant 0 : i32
    %dma_start3A_5 = arith.constant 0 : i32
    %dma_start3A_6 = tpu.memref_slice %arg6[%dma_start3A, %dma_start3A_5] : memref<80x128xi32, #tpu.memory_space<vmem>> -> memref<1x128xi32, #tpu.memory_space<vmem>>
    %dma_start3A_7 = tpu.memref_squeeze %dma_start3A_6 : memref<1x128xi32, #tpu.memory_space<vmem>> -> memref<128xi32, #tpu.memory_space<vmem>>
    %dma_start3A_8 = arith.constant 0 : i32
    %dma_start3A_9 = arith.constant 0 : i32
    %dma_start3A_10 = tpu.memref_slice %arg10[%dma_start3A_8, %dma_start3A_9] : memref<10240x128xf32, #tpu.memory_space<vmem_shared>> -> memref<10240x128xf32, #tpu.memory_space<vmem_shared>>
    tpu.enqueue_indirect_dma source(%arg7 : memref<128x128xf32, #tpu.memory_space<vmem>>) target(%dma_start3A_10 : memref<10240x128xf32, #tpu.memory_space<vmem_shared>>) offsets(%dma_start3A_7 : memref<128xi32, #tpu.memory_space<vmem>>) semaphore(%arg8 : memref<!tpu.dma_semaphore, #tpu.memory_space<semaphore_mem>>) {add = true}
    %scan3A = arith.constant 0 : i32
    %scan3A_11 = arith.constant 0 : i32
    %scan3A_12 = arith.constant 40 : i32
    %scan3A_13 = arith.addi %scan3A_11, %scan3A_12 : i32
    %scan3A_14 = arith.constant 1 : i32
    scf.for %scan3A_21 = %scan3A_11 to %scan3A_13 step %scan3A_14  : i32 {
      %mul3A_22 = arith.constant 2 : i32
      %mul3A_23 = arith.muli %scan3A_21, %mul3A_22 : i32
      %add3A_24 = arith.constant 1 : i32
      %add3A_25 = arith.addi %mul3A_23, %add3A_24 : i32
      %dma_start3A_26 = arith.constant 0 : i32
      %dma_start3A_27 = tpu.memref_slice %arg6[%add3A_25, %dma_start3A_26] : memref<80x128xi32, #tpu.memory_space<vmem>> -> memref<1x128xi32, #tpu.memory_space<vmem>>
      %dma_start3A_28 = tpu.memref_squeeze %dma_start3A_27 : memref<1x128xi32, #tpu.memory_space<vmem>> -> memref<128xi32, #tpu.memory_space<vmem>>
      %dma_start3A_29 = arith.constant 0 : i32
      %dma_start3A_30 = arith.constant 0 : i32
      %dma_start3A_31 = tpu.memref_slice %arg10[%dma_start3A_29, %dma_start3A_30] : memref<10240x128xf32, #tpu.memory_space<vmem_shared>> -> memref<10240x128xf32, #tpu.memory_space<vmem_shared>>
      tpu.enqueue_indirect_dma source(%arg7 : memref<128x128xf32, #tpu.memory_space<vmem>>) target(%dma_start3A_31 : memref<10240x128xf32, #tpu.memory_space<vmem_shared>>) offsets(%dma_start3A_28 : memref<128xi32, #tpu.memory_space<vmem>>) semaphore(%arg9 : memref<!tpu.dma_semaphore, #tpu.memory_space<semaphore_mem>>) {add = true}
      %dma_wait3A = arith.constant 0 : i32
      %dma_wait3A_32 = tpu.memref_slice %arg6[%mul3A_23, %dma_wait3A] : memref<80x128xi32, #tpu.memory_space<vmem>> -> memref<1x128xi32, #tpu.memory_space<vmem>>
      %dma_wait3A_33 = tpu.memref_squeeze %dma_wait3A_32 : memref<1x128xi32, #tpu.memory_space<vmem>> -> memref<128xi32, #tpu.memory_space<vmem>>
      %dma_wait3A_34 = arith.constant 0 : i32
      %dma_wait3A_35 = arith.constant 0 : i32
      %dma_wait3A_36 = tpu.memref_slice %arg10[%dma_wait3A_34, %dma_wait3A_35] : memref<10240x128xf32, #tpu.memory_space<vmem_shared>> -> memref<10240x128xf32, #tpu.memory_space<vmem_shared>>
      tpu.wait_indirect_dma semaphore(%arg8 : memref<!tpu.dma_semaphore, #tpu.memory_space<semaphore_mem>>) src(%arg7 : memref<128x128xf32, #tpu.memory_space<vmem>>) dst(%dma_wait3A_36 : memref<10240x128xf32, #tpu.memory_space<vmem_shared>>)
      %add3A_37 = arith.constant 2 : i32
      %add3A_38 = arith.addi %mul3A_23, %add3A_37 : i32
      %lt3A = arith.constant 80 : i32
      %lt3A_39 = arith.cmpi slt, %add3A_38, %lt3A : i32
      %convert_element_type3A = arith.extui %lt3A_39 : i1 to i32
      %cond3A = arith.constant 0 : i32
      %cond3A_40 = arith.cmpi ne, %convert_element_type3A, %cond3A : i32
      scf.if %cond3A_40 {
        %add3A_49 = arith.constant 2 : i32
        %add3A_50 = arith.addi %mul3A_23, %add3A_49 : i32
        %dma_start3A_51 = arith.constant 0 : i32
        %dma_start3A_52 = tpu.memref_slice %arg6[%add3A_50, %dma_start3A_51] : memref<80x128xi32, #tpu.memory_space<vmem>> -> memref<1x128xi32, #tpu.memory_space<vmem>>
        %dma_start3A_53 = tpu.memref_squeeze %dma_start3A_52 : memref<1x128xi32, #tpu.memory_space<vmem>> -> memref<128xi32, #tpu.memory_space<vmem>>
        %dma_start3A_54 = arith.constant 0 : i32
        %dma_start3A_55 = arith.constant 0 : i32
        %dma_start3A_56 = tpu.memref_slice %arg10[%dma_start3A_54, %dma_start3A_55] : memref<10240x128xf32, #tpu.memory_space<vmem_shared>> -> memref<10240x128xf32, #tpu.memory_space<vmem_shared>>
        tpu.enqueue_indirect_dma source(%arg7 : memref<128x128xf32, #tpu.memory_space<vmem>>) target(%dma_start3A_56 : memref<10240x128xf32, #tpu.memory_space<vmem_shared>>) offsets(%dma_start3A_53 : memref<128xi32, #tpu.memory_space<vmem>>) semaphore(%arg8 : memref<!tpu.dma_semaphore, #tpu.memory_space<semaphore_mem>>) {add = true}
      } else {
      }
      %add3A_41 = arith.constant 1 : i32
      %add3A_42 = arith.addi %mul3A_23, %add3A_41 : i32
      %dma_wait3A_43 = arith.constant 0 : i32
      %dma_wait3A_44 = tpu.memref_slice %arg6[%add3A_42, %dma_wait3A_43] : memref<80x128xi32, #tpu.memory_space<vmem>> -> memref<1x128xi32, #tpu.memory_space<vmem>>
      %dma_wait3A_45 = tpu.memref_squeeze %dma_wait3A_44 : memref<1x128xi32, #tpu.memory_space<vmem>> -> memref<128xi32, #tpu.memory_space<vmem>>
      %dma_wait3A_46 = arith.constant 0 : i32
      %dma_wait3A_47 = arith.constant 0 : i32
      %dma_wait3A_48 = tpu.memref_slice %arg10[%dma_wait3A_46, %dma_wait3A_47] : memref<10240x128xf32, #tpu.memory_space<vmem_shared>> -> memref<10240x128xf32, #tpu.memory_space<vmem_shared>>
      tpu.wait_indirect_dma semaphore(%arg9 : memref<!tpu.dma_semaphore, #tpu.memory_space<semaphore_mem>>) src(%arg7 : memref<128x128xf32, #tpu.memory_space<vmem>>) dst(%dma_wait3A_48 : memref<10240x128xf32, #tpu.memory_space<vmem_shared>>)
    }
    %scan3A_15 = arith.constant 40 : i32
    %barrier3A_16 = arith.constant 0 : index
    tpu.barrier barrier_id(%barrier3A_16)
    %mul3A_17 = arith.constant 640 : i32
    %mul3A_18 = arith.muli %arg1, %mul3A_17 : i32
    %mul3A_19 = arith.constant 640 : i32
    %mul3A_20 = arith.muli %arg1, %mul3A_19 : i32
    "tpu.region"() ({
      %run_scoped3A = tpu.sem_alloc : memref<!tpu.dma_semaphore, #tpu.memory_space<semaphore_mem>>
      %dma_start3A_21 = arith.constant 0 : i32
      %dma_start3A_22 = tpu.memref_slice %arg5[%arg0, %mul3A_20, %dma_start3A_21] : memref<2x10240x128xf32, #tpu.memory_space<hbm>> -> memref<1x640x128xf32, #tpu.memory_space<hbm>>
      %dma_start3A_23 = tpu.memref_squeeze %dma_start3A_22 : memref<1x640x128xf32, #tpu.memory_space<hbm>> -> memref<640x128xf32, #tpu.memory_space<hbm>>
      %dma_start3A_24 = arith.constant 0 : i32
      %dma_start3A_25 = tpu.memref_slice %arg10[%mul3A_18, %dma_start3A_24] : memref<10240x128xf32, #tpu.memory_space<vmem_shared>> -> memref<640x128xf32, #tpu.memory_space<vmem_shared>>
      tpu.enqueue_dma source(%dma_start3A_25 : memref<640x128xf32, #tpu.memory_space<vmem_shared>>) target(%dma_start3A_23 : memref<640x128xf32, #tpu.memory_space<hbm>>) target_semaphore(%run_scoped3A : memref<!tpu.dma_semaphore, #tpu.memory_space<semaphore_mem>>)
      %dma_wait3A = arith.constant 0 : i32
      %dma_wait3A_26 = tpu.memref_slice %arg5[%arg0, %mul3A_20, %dma_wait3A] : memref<2x10240x128xf32, #tpu.memory_space<hbm>> -> memref<1x640x128xf32, #tpu.memory_space<hbm>>
      %dma_wait3A_27 = tpu.memref_squeeze %dma_wait3A_26 : memref<1x640x128xf32, #tpu.memory_space<hbm>> -> memref<640x128xf32, #tpu.memory_space<hbm>>
      %dma_wait3A_28 = arith.constant 0 : i32
      %dma_wait3A_29 = tpu.memref_slice %arg10[%mul3A_18, %dma_wait3A_28] : memref<10240x128xf32, #tpu.memory_space<vmem_shared>> -> memref<640x128xf32, #tpu.memory_space<vmem_shared>>
      tpu.wait_dma2 semaphore(%run_scoped3A : memref<!tpu.dma_semaphore, #tpu.memory_space<semaphore_mem>>) src(%dma_wait3A_29 : memref<640x128xf32, #tpu.memory_space<vmem_shared>>) dst(%dma_wait3A_27 : memref<640x128xf32, #tpu.memory_space<hbm>>)
      tpu.yield
    }) : () -> ()
    return
  }
}

#map = affine_map<(d0, d1) -> (0, 0, 0)>
#map1 = affine_map<(d0, d1) -> (0, 0)>
module attributes {stable_mosaic.version = 14 : i64} {
  func.func @_agg_kernel(%arg0: i32, %arg1: i32, %arg2: memref<32x160x64xi32, #tpu.memory_space<hbm>>, %arg3: memref<32x160x64xi32, #tpu.memory_space<hbm>>, %arg4: memref<10000x128xf32, #tpu.memory_space<hbm>>, %arg5: memref<10240x128xf32, #tpu.memory_space<hbm>>, %arg6: memref<2x10240x128xf32, #tpu.memory_space<hbm>>, %arg7: memref<40x64xi32, #tpu.memory_space<vmem>>, %arg8: memref<40x64xi32, #tpu.memory_space<vmem>>, %arg9: memref<64x128xf32, #tpu.memory_space<vmem>>, %arg10: memref<64x128xf32, #tpu.memory_space<vmem>>, %arg11: memref<64x128xf32, #tpu.memory_space<vmem>>, %arg12: memref<64x128xf32, #tpu.memory_space<vmem>>, %arg13: memref<!tpu.dma_semaphore, #tpu.memory_space<semaphore_mem>>, %arg14: memref<!tpu.dma_semaphore, #tpu.memory_space<semaphore_mem>>, %arg15: memref<!tpu.dma_semaphore, #tpu.memory_space<semaphore_mem>>, %arg16: memref<!tpu.dma_semaphore, #tpu.memory_space<semaphore_mem>>, %arg17: memref<!tpu.dma_semaphore, #tpu.memory_space<semaphore_mem>>, %arg18: memref<!tpu.dma_semaphore, #tpu.memory_space<semaphore_mem>>, %arg19: memref<!tpu.dma_semaphore, #tpu.memory_space<semaphore_mem>>, %arg20: memref<!tpu.dma_semaphore, #tpu.memory_space<semaphore_mem>>, %arg21: memref<10240x128xf32, #tpu.memory_space<vmem_shared>>) attributes {dimension_semantics = [#tpu.dimension_semantics<core_parallel>, #tpu.dimension_semantics<subcore_parallel>], iteration_bounds = array<i64: 2, 16>, scalar_prefetch = 0 : i64, scratch_operands = 15 : i64, tpu.core_type = #tpu.core_type<sc_vector_subcore>, window_params = [{transform_indices = #map}, {transform_indices = #map}, {transform_indices = #map1}, {transform_indices = #map1}, {transform_indices = #map}]} {
    %mul3A = arith.constant 16 : i32
    %mul3A_0 = arith.muli %arg0, %mul3A : i32
    %add3A = arith.addi %mul3A_0, %arg1 : i32
    %mul3A_1 = arith.constant 640 : i32
    %mul3A_2 = arith.muli %arg1, %mul3A_1 : i32
    %mul3A_3 = arith.constant 640 : i32
    %mul3A_4 = arith.muli %arg1, %mul3A_3 : i32
    "tpu.region"() ({
      %run_scoped3A = tpu.sem_alloc : memref<!tpu.dma_semaphore, #tpu.memory_space<semaphore_mem>>
      %dma_start3A = arith.constant 0 : i32
      %dma_start3A_15 = tpu.memref_slice %arg21[%mul3A_4, %dma_start3A] : memref<10240x128xf32, #tpu.memory_space<vmem_shared>> -> memref<640x128xf32, #tpu.memory_space<vmem_shared>>
      %dma_start3A_16 = arith.constant 0 : i32
      %dma_start3A_17 = tpu.memref_slice %arg5[%mul3A_2, %dma_start3A_16] : memref<10240x128xf32, #tpu.memory_space<hbm>> -> memref<640x128xf32, #tpu.memory_space<hbm>>
      tpu.enqueue_dma source(%dma_start3A_17 : memref<640x128xf32, #tpu.memory_space<hbm>>) target(%dma_start3A_15 : memref<640x128xf32, #tpu.memory_space<vmem_shared>>) target_semaphore(%run_scoped3A : memref<!tpu.dma_semaphore, #tpu.memory_space<semaphore_mem>>)
      %dma_wait3A = arith.constant 0 : i32
      %dma_wait3A_18 = tpu.memref_slice %arg21[%mul3A_4, %dma_wait3A] : memref<10240x128xf32, #tpu.memory_space<vmem_shared>> -> memref<640x128xf32, #tpu.memory_space<vmem_shared>>
      %dma_wait3A_19 = arith.constant 0 : i32
      %dma_wait3A_20 = tpu.memref_slice %arg5[%mul3A_2, %dma_wait3A_19] : memref<10240x128xf32, #tpu.memory_space<hbm>> -> memref<640x128xf32, #tpu.memory_space<hbm>>
      tpu.wait_dma2 semaphore(%run_scoped3A : memref<!tpu.dma_semaphore, #tpu.memory_space<semaphore_mem>>) src(%dma_wait3A_20 : memref<640x128xf32, #tpu.memory_space<hbm>>) dst(%dma_wait3A_18 : memref<640x128xf32, #tpu.memory_space<vmem_shared>>)
      tpu.yield
    }) : () -> ()
    %barrier3A = arith.constant 0 : index
    tpu.barrier barrier_id(%barrier3A)
    %scan3A = arith.constant 0 : i32
    %scan3A_5 = arith.constant 0 : i32
    %scan3A_6 = arith.constant 4 : i32
    %scan3A_7 = arith.addi %scan3A_5, %scan3A_6 : i32
    %scan3A_8 = arith.constant 1 : i32
    scf.for %scan3A_15 = %scan3A_5 to %scan3A_7 step %scan3A_8  : i32 {
      %mul3A_16 = arith.constant 40 : i32
      %mul3A_17 = arith.muli %scan3A_15, %mul3A_16 : i32
      "tpu.region"() ({
        %run_scoped3A = tpu.sem_alloc : memref<!tpu.dma_semaphore, #tpu.memory_space<semaphore_mem>>
        %dma_start3A_73 = arith.constant 0 : i32
        %dma_start3A_74 = tpu.memref_slice %arg2[%add3A, %mul3A_17, %dma_start3A_73] : memref<32x160x64xi32, #tpu.memory_space<hbm>> -> memref<1x40x64xi32, #tpu.memory_space<hbm>>
        %dma_start3A_75 = tpu.memref_squeeze %dma_start3A_74 : memref<1x40x64xi32, #tpu.memory_space<hbm>> -> memref<40x64xi32, #tpu.memory_space<hbm>>
        %dma_start3A_76 = arith.constant 0 : i32
        %dma_start3A_77 = tpu.memref_slice %arg2[%add3A, %mul3A_17, %dma_start3A_76] : memref<32x160x64xi32, #tpu.memory_space<hbm>> -> memref<1x40x64xi32, #tpu.memory_space<hbm>>
        %dma_start3A_78 = tpu.memref_squeeze %dma_start3A_77 : memref<1x40x64xi32, #tpu.memory_space<hbm>> -> memref<40x64xi32, #tpu.memory_space<hbm>>
        tpu.enqueue_dma source(%dma_start3A_78 : memref<40x64xi32, #tpu.memory_space<hbm>>) target(%arg7 : memref<40x64xi32, #tpu.memory_space<vmem>>) target_semaphore(%run_scoped3A : memref<!tpu.dma_semaphore, #tpu.memory_space<semaphore_mem>>)
        %dma_wait3A_79 = arith.constant 0 : i32
        %dma_wait3A_80 = tpu.memref_slice %arg2[%add3A, %mul3A_17, %dma_wait3A_79] : memref<32x160x64xi32, #tpu.memory_space<hbm>> -> memref<1x40x64xi32, #tpu.memory_space<hbm>>
        %dma_wait3A_81 = tpu.memref_squeeze %dma_wait3A_80 : memref<1x40x64xi32, #tpu.memory_space<hbm>> -> memref<40x64xi32, #tpu.memory_space<hbm>>
        %dma_wait3A_82 = arith.constant 0 : i32
        %dma_wait3A_83 = tpu.memref_slice %arg2[%add3A, %mul3A_17, %dma_wait3A_82] : memref<32x160x64xi32, #tpu.memory_space<hbm>> -> memref<1x40x64xi32, #tpu.memory_space<hbm>>
        %dma_wait3A_84 = tpu.memref_squeeze %dma_wait3A_83 : memref<1x40x64xi32, #tpu.memory_space<hbm>> -> memref<40x64xi32, #tpu.memory_space<hbm>>
        tpu.wait_dma2 semaphore(%run_scoped3A : memref<!tpu.dma_semaphore, #tpu.memory_space<semaphore_mem>>) src(%dma_wait3A_84 : memref<40x64xi32, #tpu.memory_space<hbm>>) dst(%arg7 : memref<40x64xi32, #tpu.memory_space<vmem>>)
        tpu.yield
      }) : () -> ()
      %mul3A_18 = arith.constant 40 : i32
      %mul3A_19 = arith.muli %scan3A_15, %mul3A_18 : i32
      "tpu.region"() ({
        %run_scoped3A = tpu.sem_alloc : memref<!tpu.dma_semaphore, #tpu.memory_space<semaphore_mem>>
        %dma_start3A_73 = arith.constant 0 : i32
        %dma_start3A_74 = tpu.memref_slice %arg3[%add3A, %mul3A_19, %dma_start3A_73] : memref<32x160x64xi32, #tpu.memory_space<hbm>> -> memref<1x40x64xi32, #tpu.memory_space<hbm>>
        %dma_start3A_75 = tpu.memref_squeeze %dma_start3A_74 : memref<1x40x64xi32, #tpu.memory_space<hbm>> -> memref<40x64xi32, #tpu.memory_space<hbm>>
        %dma_start3A_76 = arith.constant 0 : i32
        %dma_start3A_77 = tpu.memref_slice %arg3[%add3A, %mul3A_19, %dma_start3A_76] : memref<32x160x64xi32, #tpu.memory_space<hbm>> -> memref<1x40x64xi32, #tpu.memory_space<hbm>>
        %dma_start3A_78 = tpu.memref_squeeze %dma_start3A_77 : memref<1x40x64xi32, #tpu.memory_space<hbm>> -> memref<40x64xi32, #tpu.memory_space<hbm>>
        tpu.enqueue_dma source(%dma_start3A_78 : memref<40x64xi32, #tpu.memory_space<hbm>>) target(%arg8 : memref<40x64xi32, #tpu.memory_space<vmem>>) target_semaphore(%run_scoped3A : memref<!tpu.dma_semaphore, #tpu.memory_space<semaphore_mem>>)
        %dma_wait3A_79 = arith.constant 0 : i32
        %dma_wait3A_80 = tpu.memref_slice %arg3[%add3A, %mul3A_19, %dma_wait3A_79] : memref<32x160x64xi32, #tpu.memory_space<hbm>> -> memref<1x40x64xi32, #tpu.memory_space<hbm>>
        %dma_wait3A_81 = tpu.memref_squeeze %dma_wait3A_80 : memref<1x40x64xi32, #tpu.memory_space<hbm>> -> memref<40x64xi32, #tpu.memory_space<hbm>>
        %dma_wait3A_82 = arith.constant 0 : i32
        %dma_wait3A_83 = tpu.memref_slice %arg3[%add3A, %mul3A_19, %dma_wait3A_82] : memref<32x160x64xi32, #tpu.memory_space<hbm>> -> memref<1x40x64xi32, #tpu.memory_space<hbm>>
        %dma_wait3A_84 = tpu.memref_squeeze %dma_wait3A_83 : memref<1x40x64xi32, #tpu.memory_space<hbm>> -> memref<40x64xi32, #tpu.memory_space<hbm>>
        tpu.wait_dma2 semaphore(%run_scoped3A : memref<!tpu.dma_semaphore, #tpu.memory_space<semaphore_mem>>) src(%dma_wait3A_84 : memref<40x64xi32, #tpu.memory_space<hbm>>) dst(%arg8 : memref<40x64xi32, #tpu.memory_space<vmem>>)
        tpu.yield
      }) : () -> ()
      %dma_start3A = arith.constant 0 : i32
      %dma_start3A_20 = arith.constant 0 : i32
      %dma_start3A_21 = tpu.memref_slice %arg7[%dma_start3A, %dma_start3A_20] : memref<40x64xi32, #tpu.memory_space<vmem>> -> memref<1x64xi32, #tpu.memory_space<vmem>>
      %dma_start3A_22 = tpu.memref_squeeze %dma_start3A_21 : memref<1x64xi32, #tpu.memory_space<vmem>> -> memref<64xi32, #tpu.memory_space<vmem>>
      %dma_start3A_23 = arith.constant 0 : i32
      %dma_start3A_24 = arith.constant 0 : i32
      %dma_start3A_25 = tpu.memref_slice %arg4[%dma_start3A_23, %dma_start3A_24] : memref<10000x128xf32, #tpu.memory_space<hbm>> -> memref<10000x128xf32, #tpu.memory_space<hbm>>
      tpu.enqueue_indirect_dma source(%dma_start3A_25 : memref<10000x128xf32, #tpu.memory_space<hbm>>) target(%arg9 : memref<64x128xf32, #tpu.memory_space<vmem>>) offsets(%dma_start3A_22 : memref<64xi32, #tpu.memory_space<vmem>>) semaphore(%arg13 : memref<!tpu.dma_semaphore, #tpu.memory_space<semaphore_mem>>)
      %dma_start3A_26 = arith.constant 1 : i32
      %dma_start3A_27 = arith.constant 0 : i32
      %dma_start3A_28 = tpu.memref_slice %arg7[%dma_start3A_26, %dma_start3A_27] : memref<40x64xi32, #tpu.memory_space<vmem>> -> memref<1x64xi32, #tpu.memory_space<vmem>>
      %dma_start3A_29 = tpu.memref_squeeze %dma_start3A_28 : memref<1x64xi32, #tpu.memory_space<vmem>> -> memref<64xi32, #tpu.memory_space<vmem>>
      %dma_start3A_30 = arith.constant 0 : i32
      %dma_start3A_31 = arith.constant 0 : i32
      %dma_start3A_32 = tpu.memref_slice %arg4[%dma_start3A_30, %dma_start3A_31] : memref<10000x128xf32, #tpu.memory_space<hbm>> -> memref<10000x128xf32, #tpu.memory_space<hbm>>
      tpu.enqueue_indirect_dma source(%dma_start3A_32 : memref<10000x128xf32, #tpu.memory_space<hbm>>) target(%arg10 : memref<64x128xf32, #tpu.memory_space<vmem>>) offsets(%dma_start3A_29 : memref<64xi32, #tpu.memory_space<vmem>>) semaphore(%arg14 : memref<!tpu.dma_semaphore, #tpu.memory_space<semaphore_mem>>)
      %dma_start3A_33 = arith.constant 2 : i32
      %dma_start3A_34 = arith.constant 0 : i32
      %dma_start3A_35 = tpu.memref_slice %arg7[%dma_start3A_33, %dma_start3A_34] : memref<40x64xi32, #tpu.memory_space<vmem>> -> memref<1x64xi32, #tpu.memory_space<vmem>>
      %dma_start3A_36 = tpu.memref_squeeze %dma_start3A_35 : memref<1x64xi32, #tpu.memory_space<vmem>> -> memref<64xi32, #tpu.memory_space<vmem>>
      %dma_start3A_37 = arith.constant 0 : i32
      %dma_start3A_38 = arith.constant 0 : i32
      %dma_start3A_39 = tpu.memref_slice %arg4[%dma_start3A_37, %dma_start3A_38] : memref<10000x128xf32, #tpu.memory_space<hbm>> -> memref<10000x128xf32, #tpu.memory_space<hbm>>
      tpu.enqueue_indirect_dma source(%dma_start3A_39 : memref<10000x128xf32, #tpu.memory_space<hbm>>) target(%arg11 : memref<64x128xf32, #tpu.memory_space<vmem>>) offsets(%dma_start3A_36 : memref<64xi32, #tpu.memory_space<vmem>>) semaphore(%arg15 : memref<!tpu.dma_semaphore, #tpu.memory_space<semaphore_mem>>)
      %scan3A_40 = arith.constant 0 : i32
      %scan3A_41 = arith.constant 0 : i32
      %scan3A_42 = arith.constant 10 : i32
      %scan3A_43 = arith.addi %scan3A_41, %scan3A_42 : i32
      %scan3A_44 = arith.constant 1 : i32
      scf.for %scan3A_73 = %scan3A_41 to %scan3A_43 step %scan3A_44  : i32 {
        %mul3A_74 = arith.constant 4 : i32
        %mul3A_75 = arith.muli %scan3A_73, %mul3A_74 : i32
        %add3A_76 = arith.constant 0 : i32
        %add3A_77 = arith.addi %mul3A_75, %add3A_76 : i32
        %dma_wait3A_78 = arith.constant 0 : i32
        %dma_wait3A_79 = tpu.memref_slice %arg7[%add3A_77, %dma_wait3A_78] : memref<40x64xi32, #tpu.memory_space<vmem>> -> memref<1x64xi32, #tpu.memory_space<vmem>>
        %dma_wait3A_80 = tpu.memref_squeeze %dma_wait3A_79 : memref<1x64xi32, #tpu.memory_space<vmem>> -> memref<64xi32, #tpu.memory_space<vmem>>
        %dma_wait3A_81 = arith.constant 0 : i32
        %dma_wait3A_82 = arith.constant 0 : i32
        %dma_wait3A_83 = tpu.memref_slice %arg4[%dma_wait3A_81, %dma_wait3A_82] : memref<10000x128xf32, #tpu.memory_space<hbm>> -> memref<10000x128xf32, #tpu.memory_space<hbm>>
        tpu.wait_indirect_dma semaphore(%arg13 : memref<!tpu.dma_semaphore, #tpu.memory_space<semaphore_mem>>) src(%dma_wait3A_83 : memref<10000x128xf32, #tpu.memory_space<hbm>>) dst(%arg9 : memref<64x128xf32, #tpu.memory_space<vmem>>)
        %add3A_84 = arith.constant 3 : i32
        %add3A_85 = arith.addi %add3A_77, %add3A_84 : i32
        %lt3A = arith.constant 40 : i32
        %lt3A_86 = arith.cmpi slt, %add3A_85, %lt3A : i32
        %ge3A = arith.constant 1 : i32
        %ge3A_87 = arith.cmpi sge, %add3A_77, %ge3A : i32
        %and3A = arith.andi %lt3A_86, %ge3A_87 : i1
        %convert_element_type3A = arith.extui %and3A : i1 to i32
        %cond3A = arith.constant 0 : i32
        %cond3A_88 = arith.cmpi ne, %convert_element_type3A, %cond3A : i32
        scf.if %cond3A_88 {
          %dma_wait3A_201 = arith.constant 0 : i32
          %dma_wait3A_202 = arith.constant 0 : i32
          %dma_wait3A_203 = tpu.memref_slice %arg8[%dma_wait3A_201, %dma_wait3A_202] : memref<40x64xi32, #tpu.memory_space<vmem>> -> memref<1x64xi32, #tpu.memory_space<vmem>>
          %dma_wait3A_204 = tpu.memref_squeeze %dma_wait3A_203 : memref<1x64xi32, #tpu.memory_space<vmem>> -> memref<64xi32, #tpu.memory_space<vmem>>
          %dma_wait3A_205 = arith.constant 0 : i32
          %dma_wait3A_206 = arith.constant 0 : i32
          %dma_wait3A_207 = tpu.memref_slice %arg21[%dma_wait3A_205, %dma_wait3A_206] : memref<10240x128xf32, #tpu.memory_space<vmem_shared>> -> memref<10240x128xf32, #tpu.memory_space<vmem_shared>>
          tpu.wait_indirect_dma semaphore(%arg20 : memref<!tpu.dma_semaphore, #tpu.memory_space<semaphore_mem>>) src(%arg12 : memref<64x128xf32, #tpu.memory_space<vmem>>) dst(%dma_wait3A_207 : memref<10240x128xf32, #tpu.memory_space<vmem_shared>>)
        } else {
        }
        %add3A_89 = arith.constant 3 : i32
        %add3A_90 = arith.addi %add3A_77, %add3A_89 : i32
        %lt3A_91 = arith.constant 40 : i32
        %lt3A_92 = arith.cmpi slt, %add3A_90, %lt3A_91 : i32
        %convert_element_type3A_93 = arith.extui %lt3A_92 : i1 to i32
        %cond3A_94 = arith.constant 0 : i32
        %cond3A_95 = arith.cmpi ne, %convert_element_type3A_93, %cond3A_94 : i32
        scf.if %cond3A_95 {
          %add3A_201 = arith.constant 3 : i32
          %add3A_202 = arith.addi %add3A_77, %add3A_201 : i32
          %dma_start3A_203 = arith.constant 0 : i32
          %dma_start3A_204 = tpu.memref_slice %arg7[%add3A_202, %dma_start3A_203] : memref<40x64xi32, #tpu.memory_space<vmem>> -> memref<1x64xi32, #tpu.memory_space<vmem>>
          %dma_start3A_205 = tpu.memref_squeeze %dma_start3A_204 : memref<1x64xi32, #tpu.memory_space<vmem>> -> memref<64xi32, #tpu.memory_space<vmem>>
          %dma_start3A_206 = arith.constant 0 : i32
          %dma_start3A_207 = arith.constant 0 : i32
          %dma_start3A_208 = tpu.memref_slice %arg4[%dma_start3A_206, %dma_start3A_207] : memref<10000x128xf32, #tpu.memory_space<hbm>> -> memref<10000x128xf32, #tpu.memory_space<hbm>>
          tpu.enqueue_indirect_dma source(%dma_start3A_208 : memref<10000x128xf32, #tpu.memory_space<hbm>>) target(%arg12 : memref<64x128xf32, #tpu.memory_space<vmem>>) offsets(%dma_start3A_205 : memref<64xi32, #tpu.memory_space<vmem>>) semaphore(%arg16 : memref<!tpu.dma_semaphore, #tpu.memory_space<semaphore_mem>>)
        } else {
        }
        %dma_start3A_96 = arith.constant 0 : i32
        %dma_start3A_97 = tpu.memref_slice %arg8[%add3A_77, %dma_start3A_96] : memref<40x64xi32, #tpu.memory_space<vmem>> -> memref<1x64xi32, #tpu.memory_space<vmem>>
        %dma_start3A_98 = tpu.memref_squeeze %dma_start3A_97 : memref<1x64xi32, #tpu.memory_space<vmem>> -> memref<64xi32, #tpu.memory_space<vmem>>
        %dma_start3A_99 = arith.constant 0 : i32
        %dma_start3A_100 = arith.constant 0 : i32
        %dma_start3A_101 = tpu.memref_slice %arg21[%dma_start3A_99, %dma_start3A_100] : memref<10240x128xf32, #tpu.memory_space<vmem_shared>> -> memref<10240x128xf32, #tpu.memory_space<vmem_shared>>
        tpu.enqueue_indirect_dma source(%arg9 : memref<64x128xf32, #tpu.memory_space<vmem>>) target(%dma_start3A_101 : memref<10240x128xf32, #tpu.memory_space<vmem_shared>>) offsets(%dma_start3A_98 : memref<64xi32, #tpu.memory_space<vmem>>) semaphore(%arg17 : memref<!tpu.dma_semaphore, #tpu.memory_space<semaphore_mem>>) {add = true}
        %mul3A_102 = arith.constant 4 : i32
        %mul3A_103 = arith.muli %scan3A_73, %mul3A_102 : i32
        %add3A_104 = arith.constant 1 : i32
        %add3A_105 = arith.addi %mul3A_103, %add3A_104 : i32
        %dma_wait3A_106 = arith.constant 0 : i32
        %dma_wait3A_107 = tpu.memref_slice %arg7[%add3A_105, %dma_wait3A_106] : memref<40x64xi32, #tpu.memory_space<vmem>> -> memref<1x64xi32, #tpu.memory_space<vmem>>
        %dma_wait3A_108 = tpu.memref_squeeze %dma_wait3A_107 : memref<1x64xi32, #tpu.memory_space<vmem>> -> memref<64xi32, #tpu.memory_space<vmem>>
        %dma_wait3A_109 = arith.constant 0 : i32
        %dma_wait3A_110 = arith.constant 0 : i32
        %dma_wait3A_111 = tpu.memref_slice %arg4[%dma_wait3A_109, %dma_wait3A_110] : memref<10000x128xf32, #tpu.memory_space<hbm>> -> memref<10000x128xf32, #tpu.memory_space<hbm>>
        tpu.wait_indirect_dma semaphore(%arg14 : memref<!tpu.dma_semaphore, #tpu.memory_space<semaphore_mem>>) src(%dma_wait3A_111 : memref<10000x128xf32, #tpu.memory_space<hbm>>) dst(%arg10 : memref<64x128xf32, #tpu.memory_space<vmem>>)
        %add3A_112 = arith.constant 3 : i32
        %add3A_113 = arith.addi %add3A_105, %add3A_112 : i32
        %lt3A_114 = arith.constant 40 : i32
        %lt3A_115 = arith.cmpi slt, %add3A_113, %lt3A_114 : i32
        %ge3A_116 = arith.constant 1 : i32
        %ge3A_117 = arith.cmpi sge, %add3A_105, %ge3A_116 : i32
        %and3A_118 = arith.andi %lt3A_115, %ge3A_117 : i1
        %convert_element_type3A_119 = arith.extui %and3A_118 : i1 to i32
        %cond3A_120 = arith.constant 0 : i32
        %cond3A_121 = arith.cmpi ne, %convert_element_type3A_119, %cond3A_120 : i32
        scf.if %cond3A_121 {
          %dma_wait3A_201 = arith.constant 0 : i32
          %dma_wait3A_202 = arith.constant 0 : i32
          %dma_wait3A_203 = tpu.memref_slice %arg8[%dma_wait3A_201, %dma_wait3A_202] : memref<40x64xi32, #tpu.memory_space<vmem>> -> memref<1x64xi32, #tpu.memory_space<vmem>>
          %dma_wait3A_204 = tpu.memref_squeeze %dma_wait3A_203 : memref<1x64xi32, #tpu.memory_space<vmem>> -> memref<64xi32, #tpu.memory_space<vmem>>
          %dma_wait3A_205 = arith.constant 0 : i32
          %dma_wait3A_206 = arith.constant 0 : i32
          %dma_wait3A_207 = tpu.memref_slice %arg21[%dma_wait3A_205, %dma_wait3A_206] : memref<10240x128xf32, #tpu.memory_space<vmem_shared>> -> memref<10240x128xf32, #tpu.memory_space<vmem_shared>>
          tpu.wait_indirect_dma semaphore(%arg17 : memref<!tpu.dma_semaphore, #tpu.memory_space<semaphore_mem>>) src(%arg9 : memref<64x128xf32, #tpu.memory_space<vmem>>) dst(%dma_wait3A_207 : memref<10240x128xf32, #tpu.memory_space<vmem_shared>>)
        } else {
        }
        %add3A_122 = arith.constant 3 : i32
        %add3A_123 = arith.addi %add3A_105, %add3A_122 : i32
        %lt3A_124 = arith.constant 40 : i32
        %lt3A_125 = arith.cmpi slt, %add3A_123, %lt3A_124 : i32
        %convert_element_type3A_126 = arith.extui %lt3A_125 : i1 to i32
        %cond3A_127 = arith.constant 0 : i32
        %cond3A_128 = arith.cmpi ne, %convert_element_type3A_126, %cond3A_127 : i32
        scf.if %cond3A_128 {
          %add3A_201 = arith.constant 3 : i32
          %add3A_202 = arith.addi %add3A_105, %add3A_201 : i32
          %dma_start3A_203 = arith.constant 0 : i32
          %dma_start3A_204 = tpu.memref_slice %arg7[%add3A_202, %dma_start3A_203] : memref<40x64xi32, #tpu.memory_space<vmem>> -> memref<1x64xi32, #tpu.memory_space<vmem>>
          %dma_start3A_205 = tpu.memref_squeeze %dma_start3A_204 : memref<1x64xi32, #tpu.memory_space<vmem>> -> memref<64xi32, #tpu.memory_space<vmem>>
          %dma_start3A_206 = arith.constant 0 : i32
          %dma_start3A_207 = arith.constant 0 : i32
          %dma_start3A_208 = tpu.memref_slice %arg4[%dma_start3A_206, %dma_start3A_207] : memref<10000x128xf32, #tpu.memory_space<hbm>> -> memref<10000x128xf32, #tpu.memory_space<hbm>>
          tpu.enqueue_indirect_dma source(%dma_start3A_208 : memref<10000x128xf32, #tpu.memory_space<hbm>>) target(%arg9 : memref<64x128xf32, #tpu.memory_space<vmem>>) offsets(%dma_start3A_205 : memref<64xi32, #tpu.memory_space<vmem>>) semaphore(%arg13 : memref<!tpu.dma_semaphore, #tpu.memory_space<semaphore_mem>>)
        } else {
        }
        %dma_start3A_129 = arith.constant 0 : i32
        %dma_start3A_130 = tpu.memref_slice %arg8[%add3A_105, %dma_start3A_129] : memref<40x64xi32, #tpu.memory_space<vmem>> -> memref<1x64xi32, #tpu.memory_space<vmem>>
        %dma_start3A_131 = tpu.memref_squeeze %dma_start3A_130 : memref<1x64xi32, #tpu.memory_space<vmem>> -> memref<64xi32, #tpu.memory_space<vmem>>
        %dma_start3A_132 = arith.constant 0 : i32
        %dma_start3A_133 = arith.constant 0 : i32
        %dma_start3A_134 = tpu.memref_slice %arg21[%dma_start3A_132, %dma_start3A_133] : memref<10240x128xf32, #tpu.memory_space<vmem_shared>> -> memref<10240x128xf32, #tpu.memory_space<vmem_shared>>
        tpu.enqueue_indirect_dma source(%arg10 : memref<64x128xf32, #tpu.memory_space<vmem>>) target(%dma_start3A_134 : memref<10240x128xf32, #tpu.memory_space<vmem_shared>>) offsets(%dma_start3A_131 : memref<64xi32, #tpu.memory_space<vmem>>) semaphore(%arg18 : memref<!tpu.dma_semaphore, #tpu.memory_space<semaphore_mem>>) {add = true}
        %mul3A_135 = arith.constant 4 : i32
        %mul3A_136 = arith.muli %scan3A_73, %mul3A_135 : i32
        %add3A_137 = arith.constant 2 : i32
        %add3A_138 = arith.addi %mul3A_136, %add3A_137 : i32
        %dma_wait3A_139 = arith.constant 0 : i32
        %dma_wait3A_140 = tpu.memref_slice %arg7[%add3A_138, %dma_wait3A_139] : memref<40x64xi32, #tpu.memory_space<vmem>> -> memref<1x64xi32, #tpu.memory_space<vmem>>
        %dma_wait3A_141 = tpu.memref_squeeze %dma_wait3A_140 : memref<1x64xi32, #tpu.memory_space<vmem>> -> memref<64xi32, #tpu.memory_space<vmem>>
        %dma_wait3A_142 = arith.constant 0 : i32
        %dma_wait3A_143 = arith.constant 0 : i32
        %dma_wait3A_144 = tpu.memref_slice %arg4[%dma_wait3A_142, %dma_wait3A_143] : memref<10000x128xf32, #tpu.memory_space<hbm>> -> memref<10000x128xf32, #tpu.memory_space<hbm>>
        tpu.wait_indirect_dma semaphore(%arg15 : memref<!tpu.dma_semaphore, #tpu.memory_space<semaphore_mem>>) src(%dma_wait3A_144 : memref<10000x128xf32, #tpu.memory_space<hbm>>) dst(%arg11 : memref<64x128xf32, #tpu.memory_space<vmem>>)
        %add3A_145 = arith.constant 3 : i32
        %add3A_146 = arith.addi %add3A_138, %add3A_145 : i32
        %lt3A_147 = arith.constant 40 : i32
        %lt3A_148 = arith.cmpi slt, %add3A_146, %lt3A_147 : i32
        %ge3A_149 = arith.constant 1 : i32
        %ge3A_150 = arith.cmpi sge, %add3A_138, %ge3A_149 : i32
        %and3A_151 = arith.andi %lt3A_148, %ge3A_150 : i1
        %convert_element_type3A_152 = arith.extui %and3A_151 : i1 to i32
        %cond3A_153 = arith.constant 0 : i32
        %cond3A_154 = arith.cmpi ne, %convert_element_type3A_152, %cond3A_153 : i32
        scf.if %cond3A_154 {
          %dma_wait3A_201 = arith.constant 0 : i32
          %dma_wait3A_202 = arith.constant 0 : i32
          %dma_wait3A_203 = tpu.memref_slice %arg8[%dma_wait3A_201, %dma_wait3A_202] : memref<40x64xi32, #tpu.memory_space<vmem>> -> memref<1x64xi32, #tpu.memory_space<vmem>>
          %dma_wait3A_204 = tpu.memref_squeeze %dma_wait3A_203 : memref<1x64xi32, #tpu.memory_space<vmem>> -> memref<64xi32, #tpu.memory_space<vmem>>
          %dma_wait3A_205 = arith.constant 0 : i32
          %dma_wait3A_206 = arith.constant 0 : i32
          %dma_wait3A_207 = tpu.memref_slice %arg21[%dma_wait3A_205, %dma_wait3A_206] : memref<10240x128xf32, #tpu.memory_space<vmem_shared>> -> memref<10240x128xf32, #tpu.memory_space<vmem_shared>>
          tpu.wait_indirect_dma semaphore(%arg18 : memref<!tpu.dma_semaphore, #tpu.memory_space<semaphore_mem>>) src(%arg10 : memref<64x128xf32, #tpu.memory_space<vmem>>) dst(%dma_wait3A_207 : memref<10240x128xf32, #tpu.memory_space<vmem_shared>>)
        } else {
        }
        %add3A_155 = arith.constant 3 : i32
        %add3A_156 = arith.addi %add3A_138, %add3A_155 : i32
        %lt3A_157 = arith.constant 40 : i32
        %lt3A_158 = arith.cmpi slt, %add3A_156, %lt3A_157 : i32
        %convert_element_type3A_159 = arith.extui %lt3A_158 : i1 to i32
        %cond3A_160 = arith.constant 0 : i32
        %cond3A_161 = arith.cmpi ne, %convert_element_type3A_159, %cond3A_160 : i32
        scf.if %cond3A_161 {
          %add3A_201 = arith.constant 3 : i32
          %add3A_202 = arith.addi %add3A_138, %add3A_201 : i32
          %dma_start3A_203 = arith.constant 0 : i32
          %dma_start3A_204 = tpu.memref_slice %arg7[%add3A_202, %dma_start3A_203] : memref<40x64xi32, #tpu.memory_space<vmem>> -> memref<1x64xi32, #tpu.memory_space<vmem>>
          %dma_start3A_205 = tpu.memref_squeeze %dma_start3A_204 : memref<1x64xi32, #tpu.memory_space<vmem>> -> memref<64xi32, #tpu.memory_space<vmem>>
          %dma_start3A_206 = arith.constant 0 : i32
          %dma_start3A_207 = arith.constant 0 : i32
          %dma_start3A_208 = tpu.memref_slice %arg4[%dma_start3A_206, %dma_start3A_207] : memref<10000x128xf32, #tpu.memory_space<hbm>> -> memref<10000x128xf32, #tpu.memory_space<hbm>>
          tpu.enqueue_indirect_dma source(%dma_start3A_208 : memref<10000x128xf32, #tpu.memory_space<hbm>>) target(%arg10 : memref<64x128xf32, #tpu.memory_space<vmem>>) offsets(%dma_start3A_205 : memref<64xi32, #tpu.memory_space<vmem>>) semaphore(%arg14 : memref<!tpu.dma_semaphore, #tpu.memory_space<semaphore_mem>>)
        } else {
        }
        %dma_start3A_162 = arith.constant 0 : i32
        %dma_start3A_163 = tpu.memref_slice %arg8[%add3A_138, %dma_start3A_162] : memref<40x64xi32, #tpu.memory_space<vmem>> -> memref<1x64xi32, #tpu.memory_space<vmem>>
        %dma_start3A_164 = tpu.memref_squeeze %dma_start3A_163 : memref<1x64xi32, #tpu.memory_space<vmem>> -> memref<64xi32, #tpu.memory_space<vmem>>
        %dma_start3A_165 = arith.constant 0 : i32
        %dma_start3A_166 = arith.constant 0 : i32
        %dma_start3A_167 = tpu.memref_slice %arg21[%dma_start3A_165, %dma_start3A_166] : memref<10240x128xf32, #tpu.memory_space<vmem_shared>> -> memref<10240x128xf32, #tpu.memory_space<vmem_shared>>
        tpu.enqueue_indirect_dma source(%arg11 : memref<64x128xf32, #tpu.memory_space<vmem>>) target(%dma_start3A_167 : memref<10240x128xf32, #tpu.memory_space<vmem_shared>>) offsets(%dma_start3A_164 : memref<64xi32, #tpu.memory_space<vmem>>) semaphore(%arg19 : memref<!tpu.dma_semaphore, #tpu.memory_space<semaphore_mem>>) {add = true}
        %mul3A_168 = arith.constant 4 : i32
        %mul3A_169 = arith.muli %scan3A_73, %mul3A_168 : i32
        %add3A_170 = arith.constant 3 : i32
        %add3A_171 = arith.addi %mul3A_169, %add3A_170 : i32
        %dma_wait3A_172 = arith.constant 0 : i32
        %dma_wait3A_173 = tpu.memref_slice %arg7[%add3A_171, %dma_wait3A_172] : memref<40x64xi32, #tpu.memory_space<vmem>> -> memref<1x64xi32, #tpu.memory_space<vmem>>
        %dma_wait3A_174 = tpu.memref_squeeze %dma_wait3A_173 : memref<1x64xi32, #tpu.memory_space<vmem>> -> memref<64xi32, #tpu.memory_space<vmem>>
        %dma_wait3A_175 = arith.constant 0 : i32
        %dma_wait3A_176 = arith.constant 0 : i32
        %dma_wait3A_177 = tpu.memref_slice %arg4[%dma_wait3A_175, %dma_wait3A_176] : memref<10000x128xf32, #tpu.memory_space<hbm>> -> memref<10000x128xf32, #tpu.memory_space<hbm>>
        tpu.wait_indirect_dma semaphore(%arg16 : memref<!tpu.dma_semaphore, #tpu.memory_space<semaphore_mem>>) src(%dma_wait3A_177 : memref<10000x128xf32, #tpu.memory_space<hbm>>) dst(%arg12 : memref<64x128xf32, #tpu.memory_space<vmem>>)
        %add3A_178 = arith.constant 3 : i32
        %add3A_179 = arith.addi %add3A_171, %add3A_178 : i32
        %lt3A_180 = arith.constant 40 : i32
        %lt3A_181 = arith.cmpi slt, %add3A_179, %lt3A_180 : i32
        %ge3A_182 = arith.constant 1 : i32
        %ge3A_183 = arith.cmpi sge, %add3A_171, %ge3A_182 : i32
        %and3A_184 = arith.andi %lt3A_181, %ge3A_183 : i1
        %convert_element_type3A_185 = arith.extui %and3A_184 : i1 to i32
        %cond3A_186 = arith.constant 0 : i32
        %cond3A_187 = arith.cmpi ne, %convert_element_type3A_185, %cond3A_186 : i32
        scf.if %cond3A_187 {
          %dma_wait3A_201 = arith.constant 0 : i32
          %dma_wait3A_202 = arith.constant 0 : i32
          %dma_wait3A_203 = tpu.memref_slice %arg8[%dma_wait3A_201, %dma_wait3A_202] : memref<40x64xi32, #tpu.memory_space<vmem>> -> memref<1x64xi32, #tpu.memory_space<vmem>>
          %dma_wait3A_204 = tpu.memref_squeeze %dma_wait3A_203 : memref<1x64xi32, #tpu.memory_space<vmem>> -> memref<64xi32, #tpu.memory_space<vmem>>
          %dma_wait3A_205 = arith.constant 0 : i32
          %dma_wait3A_206 = arith.constant 0 : i32
          %dma_wait3A_207 = tpu.memref_slice %arg21[%dma_wait3A_205, %dma_wait3A_206] : memref<10240x128xf32, #tpu.memory_space<vmem_shared>> -> memref<10240x128xf32, #tpu.memory_space<vmem_shared>>
          tpu.wait_indirect_dma semaphore(%arg19 : memref<!tpu.dma_semaphore, #tpu.memory_space<semaphore_mem>>) src(%arg11 : memref<64x128xf32, #tpu.memory_space<vmem>>) dst(%dma_wait3A_207 : memref<10240x128xf32, #tpu.memory_space<vmem_shared>>)
        } else {
        }
        %add3A_188 = arith.constant 3 : i32
        %add3A_189 = arith.addi %add3A_171, %add3A_188 : i32
        %lt3A_190 = arith.constant 40 : i32
        %lt3A_191 = arith.cmpi slt, %add3A_189, %lt3A_190 : i32
        %convert_element_type3A_192 = arith.extui %lt3A_191 : i1 to i32
        %cond3A_193 = arith.constant 0 : i32
        %cond3A_194 = arith.cmpi ne, %convert_element_type3A_192, %cond3A_193 : i32
        scf.if %cond3A_194 {
          %add3A_201 = arith.constant 3 : i32
          %add3A_202 = arith.addi %add3A_171, %add3A_201 : i32
          %dma_start3A_203 = arith.constant 0 : i32
          %dma_start3A_204 = tpu.memref_slice %arg7[%add3A_202, %dma_start3A_203] : memref<40x64xi32, #tpu.memory_space<vmem>> -> memref<1x64xi32, #tpu.memory_space<vmem>>
          %dma_start3A_205 = tpu.memref_squeeze %dma_start3A_204 : memref<1x64xi32, #tpu.memory_space<vmem>> -> memref<64xi32, #tpu.memory_space<vmem>>
          %dma_start3A_206 = arith.constant 0 : i32
          %dma_start3A_207 = arith.constant 0 : i32
          %dma_start3A_208 = tpu.memref_slice %arg4[%dma_start3A_206, %dma_start3A_207] : memref<10000x128xf32, #tpu.memory_space<hbm>> -> memref<10000x128xf32, #tpu.memory_space<hbm>>
          tpu.enqueue_indirect_dma source(%dma_start3A_208 : memref<10000x128xf32, #tpu.memory_space<hbm>>) target(%arg11 : memref<64x128xf32, #tpu.memory_space<vmem>>) offsets(%dma_start3A_205 : memref<64xi32, #tpu.memory_space<vmem>>) semaphore(%arg15 : memref<!tpu.dma_semaphore, #tpu.memory_space<semaphore_mem>>)
        } else {
        }
        %dma_start3A_195 = arith.constant 0 : i32
        %dma_start3A_196 = tpu.memref_slice %arg8[%add3A_171, %dma_start3A_195] : memref<40x64xi32, #tpu.memory_space<vmem>> -> memref<1x64xi32, #tpu.memory_space<vmem>>
        %dma_start3A_197 = tpu.memref_squeeze %dma_start3A_196 : memref<1x64xi32, #tpu.memory_space<vmem>> -> memref<64xi32, #tpu.memory_space<vmem>>
        %dma_start3A_198 = arith.constant 0 : i32
        %dma_start3A_199 = arith.constant 0 : i32
        %dma_start3A_200 = tpu.memref_slice %arg21[%dma_start3A_198, %dma_start3A_199] : memref<10240x128xf32, #tpu.memory_space<vmem_shared>> -> memref<10240x128xf32, #tpu.memory_space<vmem_shared>>
        tpu.enqueue_indirect_dma source(%arg12 : memref<64x128xf32, #tpu.memory_space<vmem>>) target(%dma_start3A_200 : memref<10240x128xf32, #tpu.memory_space<vmem_shared>>) offsets(%dma_start3A_197 : memref<64xi32, #tpu.memory_space<vmem>>) semaphore(%arg20 : memref<!tpu.dma_semaphore, #tpu.memory_space<semaphore_mem>>) {add = true}
      }
      %scan3A_45 = arith.constant 10 : i32
      %dma_wait3A = arith.constant 0 : i32
      %dma_wait3A_46 = arith.constant 0 : i32
      %dma_wait3A_47 = tpu.memref_slice %arg8[%dma_wait3A, %dma_wait3A_46] : memref<40x64xi32, #tpu.memory_space<vmem>> -> memref<1x64xi32, #tpu.memory_space<vmem>>
      %dma_wait3A_48 = tpu.memref_squeeze %dma_wait3A_47 : memref<1x64xi32, #tpu.memory_space<vmem>> -> memref<64xi32, #tpu.memory_space<vmem>>
      %dma_wait3A_49 = arith.constant 0 : i32
      %dma_wait3A_50 = arith.constant 0 : i32
      %dma_wait3A_51 = tpu.memref_slice %arg21[%dma_wait3A_49, %dma_wait3A_50] : memref<10240x128xf32, #tpu.memory_space<vmem_shared>> -> memref<10240x128xf32, #tpu.memory_space<vmem_shared>>
      tpu.wait_indirect_dma semaphore(%arg17 : memref<!tpu.dma_semaphore, #tpu.memory_space<semaphore_mem>>) src(%arg9 : memref<64x128xf32, #tpu.memory_space<vmem>>) dst(%dma_wait3A_51 : memref<10240x128xf32, #tpu.memory_space<vmem_shared>>)
      %dma_wait3A_52 = arith.constant 0 : i32
      %dma_wait3A_53 = arith.constant 0 : i32
      %dma_wait3A_54 = tpu.memref_slice %arg8[%dma_wait3A_52, %dma_wait3A_53] : memref<40x64xi32, #tpu.memory_space<vmem>> -> memref<1x64xi32, #tpu.memory_space<vmem>>
      %dma_wait3A_55 = tpu.memref_squeeze %dma_wait3A_54 : memref<1x64xi32, #tpu.memory_space<vmem>> -> memref<64xi32, #tpu.memory_space<vmem>>
      %dma_wait3A_56 = arith.constant 0 : i32
      %dma_wait3A_57 = arith.constant 0 : i32
      %dma_wait3A_58 = tpu.memref_slice %arg21[%dma_wait3A_56, %dma_wait3A_57] : memref<10240x128xf32, #tpu.memory_space<vmem_shared>> -> memref<10240x128xf32, #tpu.memory_space<vmem_shared>>
      tpu.wait_indirect_dma semaphore(%arg18 : memref<!tpu.dma_semaphore, #tpu.memory_space<semaphore_mem>>) src(%arg10 : memref<64x128xf32, #tpu.memory_space<vmem>>) dst(%dma_wait3A_58 : memref<10240x128xf32, #tpu.memory_space<vmem_shared>>)
      %dma_wait3A_59 = arith.constant 0 : i32
      %dma_wait3A_60 = arith.constant 0 : i32
      %dma_wait3A_61 = tpu.memref_slice %arg8[%dma_wait3A_59, %dma_wait3A_60] : memref<40x64xi32, #tpu.memory_space<vmem>> -> memref<1x64xi32, #tpu.memory_space<vmem>>
      %dma_wait3A_62 = tpu.memref_squeeze %dma_wait3A_61 : memref<1x64xi32, #tpu.memory_space<vmem>> -> memref<64xi32, #tpu.memory_space<vmem>>
      %dma_wait3A_63 = arith.constant 0 : i32
      %dma_wait3A_64 = arith.constant 0 : i32
      %dma_wait3A_65 = tpu.memref_slice %arg21[%dma_wait3A_63, %dma_wait3A_64] : memref<10240x128xf32, #tpu.memory_space<vmem_shared>> -> memref<10240x128xf32, #tpu.memory_space<vmem_shared>>
      tpu.wait_indirect_dma semaphore(%arg19 : memref<!tpu.dma_semaphore, #tpu.memory_space<semaphore_mem>>) src(%arg11 : memref<64x128xf32, #tpu.memory_space<vmem>>) dst(%dma_wait3A_65 : memref<10240x128xf32, #tpu.memory_space<vmem_shared>>)
      %dma_wait3A_66 = arith.constant 0 : i32
      %dma_wait3A_67 = arith.constant 0 : i32
      %dma_wait3A_68 = tpu.memref_slice %arg8[%dma_wait3A_66, %dma_wait3A_67] : memref<40x64xi32, #tpu.memory_space<vmem>> -> memref<1x64xi32, #tpu.memory_space<vmem>>
      %dma_wait3A_69 = tpu.memref_squeeze %dma_wait3A_68 : memref<1x64xi32, #tpu.memory_space<vmem>> -> memref<64xi32, #tpu.memory_space<vmem>>
      %dma_wait3A_70 = arith.constant 0 : i32
      %dma_wait3A_71 = arith.constant 0 : i32
      %dma_wait3A_72 = tpu.memref_slice %arg21[%dma_wait3A_70, %dma_wait3A_71] : memref<10240x128xf32, #tpu.memory_space<vmem_shared>> -> memref<10240x128xf32, #tpu.memory_space<vmem_shared>>
      tpu.wait_indirect_dma semaphore(%arg20 : memref<!tpu.dma_semaphore, #tpu.memory_space<semaphore_mem>>) src(%arg12 : memref<64x128xf32, #tpu.memory_space<vmem>>) dst(%dma_wait3A_72 : memref<10240x128xf32, #tpu.memory_space<vmem_shared>>)
    }
    %scan3A_9 = arith.constant 4 : i32
    %barrier3A_10 = arith.constant 0 : index
    tpu.barrier barrier_id(%barrier3A_10)
    %mul3A_11 = arith.constant 640 : i32
    %mul3A_12 = arith.muli %arg1, %mul3A_11 : i32
    %mul3A_13 = arith.constant 640 : i32
    %mul3A_14 = arith.muli %arg1, %mul3A_13 : i32
    "tpu.region"() ({
      %run_scoped3A = tpu.sem_alloc : memref<!tpu.dma_semaphore, #tpu.memory_space<semaphore_mem>>
      %dma_start3A = arith.constant 0 : i32
      %dma_start3A_15 = tpu.memref_slice %arg6[%arg0, %mul3A_14, %dma_start3A] : memref<2x10240x128xf32, #tpu.memory_space<hbm>> -> memref<1x640x128xf32, #tpu.memory_space<hbm>>
      %dma_start3A_16 = tpu.memref_squeeze %dma_start3A_15 : memref<1x640x128xf32, #tpu.memory_space<hbm>> -> memref<640x128xf32, #tpu.memory_space<hbm>>
      %dma_start3A_17 = arith.constant 0 : i32
      %dma_start3A_18 = tpu.memref_slice %arg21[%mul3A_12, %dma_start3A_17] : memref<10240x128xf32, #tpu.memory_space<vmem_shared>> -> memref<640x128xf32, #tpu.memory_space<vmem_shared>>
      tpu.enqueue_dma source(%dma_start3A_18 : memref<640x128xf32, #tpu.memory_space<vmem_shared>>) target(%dma_start3A_16 : memref<640x128xf32, #tpu.memory_space<hbm>>) target_semaphore(%run_scoped3A : memref<!tpu.dma_semaphore, #tpu.memory_space<semaphore_mem>>)
      %dma_wait3A = arith.constant 0 : i32
      %dma_wait3A_19 = tpu.memref_slice %arg6[%arg0, %mul3A_14, %dma_wait3A] : memref<2x10240x128xf32, #tpu.memory_space<hbm>> -> memref<1x640x128xf32, #tpu.memory_space<hbm>>
      %dma_wait3A_20 = tpu.memref_squeeze %dma_wait3A_19 : memref<1x640x128xf32, #tpu.memory_space<hbm>> -> memref<640x128xf32, #tpu.memory_space<hbm>>
      %dma_wait3A_21 = arith.constant 0 : i32
      %dma_wait3A_22 = tpu.memref_slice %arg21[%mul3A_12, %dma_wait3A_21] : memref<10240x128xf32, #tpu.memory_space<vmem_shared>> -> memref<640x128xf32, #tpu.memory_space<vmem_shared>>
      tpu.wait_dma2 semaphore(%run_scoped3A : memref<!tpu.dma_semaphore, #tpu.memory_space<semaphore_mem>>) src(%dma_wait3A_22 : memref<640x128xf32, #tpu.memory_space<vmem_shared>>) dst(%dma_wait3A_20 : memref<640x128xf32, #tpu.memory_space<hbm>>)
      tpu.yield
    }) : () -> ()
    return
  }
}

module attributes {stable_mosaic.version = 14 : i64} {
  func.func @_hs_body(%arg0: i32, %arg1: memref<2000x128xf32, #tpu.memory_space<vmem>>, %arg2: memref<128x128xf32, #tpu.memory_space<vmem>>, %arg3: memref<2x2000x128xf32, #tpu.memory_space<vmem>>, %arg4: memref<2000x128xf32, #tpu.memory_space<vmem>>) attributes {dimension_semantics = [#tpu.dimension_semantics<arbitrary>], iteration_bounds = array<i64: 5>, scalar_prefetch = 0 : i64, scratch_operands = 0 : i64, tpu.core_type = #tpu.core_type<tc>, window_params = [{transform_indices = @transform_0, window_bounds = array<i64: 2000, 128>}, {pipeline_mode = #tpu.pipeline_mode<synchronous>, transform_indices = @transform_1, window_bounds = array<i64: 128, 128>}, {transform_indices = @transform_2, window_bounds = array<i64: 2, 2000, 128>}, {transform_indices = @transform_3, window_bounds = array<i64: 2000, 128>}]} {
    %get3A = arith.constant 0 : index
    %get3A_0 = arith.constant 0 : index
    %get3A_1 = vector.load %arg1[%get3A, %get3A_0] : memref<2000x128xf32, #tpu.memory_space<vmem>>, vector<2000x128xf32>
    %get3A_2 = arith.constant 0 : index
    %get3A_3 = arith.constant 0 : index
    %get3A_4 = vector.load %arg2[%get3A_2, %get3A_3] : memref<128x128xf32, #tpu.memory_space<vmem>>, vector<128x128xf32>
    %dot_general3A = arith.constant dense<0.000000e+00> : vector<2000x128xf32>
    %dot_general3A_5 = tpu.matmul %get3A_1, %get3A_4, %dot_general3A {dimension_numbers = #tpu.dot_dimension_numbers<[1], [0], [0], [1], [0, 0, 1, 1], [], []>, transpose_lhs_hint = false} : vector<2000x128xf32>, vector<128x128xf32>, vector<2000x128xf32> -> vector<2000x128xf32>
    %get3A_6 = arith.constant 0 : index
    %get3A_7 = arith.constant 0 : index
    %get3A_8 = arith.constant 0 : index
    %get3A_9 = vector.load %arg3[%get3A_6, %get3A_7, %get3A_8] : memref<2x2000x128xf32, #tpu.memory_space<vmem>>, vector<1x2000x1xf32>
    %get3A_10 = vector.shape_cast %get3A_9 : vector<1x2000x1xf32> to vector<2000xf32>
    %get3A_11 = arith.constant 1 : index
    %get3A_12 = arith.constant 0 : index
    %get3A_13 = arith.constant 0 : index
    %get3A_14 = vector.load %arg3[%get3A_11, %get3A_12, %get3A_13] : memref<2x2000x128xf32, #tpu.memory_space<vmem>>, vector<1x2000x1xf32>
    %get3A_15 = vector.shape_cast %get3A_14 : vector<1x2000x1xf32> to vector<2000xf32>
    %add3A = arith.addf %get3A_10, %get3A_15 : vector<2000xf32>
    %add3A_16 = arith.constant 1.000000e+00 : f32
    %add3A_17 = vector.broadcast %add3A_16 : f32 to vector<2000xf32>
    %add3A_18 = arith.addf %add3A, %add3A_17 : vector<2000xf32>
    %rsqrt3A = math.rsqrt %add3A_18 : vector<2000xf32>
    %broadcast_in_dim3A = vector.shape_cast %rsqrt3A : vector<2000xf32> to vector<2000x1xf32>
    %mul3A = vector.broadcast %broadcast_in_dim3A : vector<2000x1xf32> to vector<2000x128xf32>
    %mul3A_19 = arith.mulf %dot_general3A_5, %mul3A : vector<2000x128xf32>
    %swap3A = arith.constant 0 : index
    %swap3A_20 = arith.constant 0 : index
    %swap3A_21 = vector.load %arg4[%swap3A, %swap3A_20] : memref<2000x128xf32, #tpu.memory_space<vmem>>, vector<2000x128xf32>
    tpu.vector_store %arg4[%swap3A, %swap3A_20], %mul3A_19 {strides = array<i32>} : memref<2000x128xf32, #tpu.memory_space<vmem>>, vector<2000x128xf32>,
    return
  }
  func.func @transform_0(%arg0: i32) -> (i32, i32) {
    %c0_i32 = arith.constant 0 : i32
    %c0_i32_0 = arith.constant 0 : i32
    return %arg0, %c0_i32 : i32, i32
  }
  func.func @transform_1(%arg0: i32) -> (i32, i32) {
    %c0_i32 = arith.constant 0 : i32
    %c0_i32_0 = arith.constant 0 : i32
    %c0_i32_1 = arith.constant 0 : i32
    return %c0_i32, %c0_i32_0 : i32, i32
  }
  func.func @transform_2(%arg0: i32) -> (i32, i32, i32) {
    %c0_i32 = arith.constant 0 : i32
    %c0_i32_0 = arith.constant 0 : i32
    %c0_i32_1 = arith.constant 0 : i32
    return %c0_i32, %arg0, %c0_i32_0 : i32, i32, i32
  }
  func.func @transform_3(%arg0: i32) -> (i32, i32) {
    %c0_i32 = arith.constant 0 : i32
    %c0_i32_0 = arith.constant 0 : i32
    return %arg0, %c0_i32 : i32, i32
  }
}

module attributes {stable_mosaic.version = 14 : i64} {
  func.func @_out_body(%arg0: i32, %arg1: memref<2x2000x128xf32, #tpu.memory_space<vmem>>, %arg2: memref<2000x128xf32, #tpu.memory_space<vmem>>, %arg3: memref<2x2000x128xf32, #tpu.memory_space<vmem>>, %arg4: memref<1x128xf32, #tpu.memory_space<vmem>>, %arg5: memref<2000x128xf32, #tpu.memory_space<vmem>>) attributes {dimension_semantics = [#tpu.dimension_semantics<arbitrary>], iteration_bounds = array<i64: 5>, scalar_prefetch = 0 : i64, scratch_operands = 0 : i64, tpu.core_type = #tpu.core_type<tc>, window_params = [{transform_indices = @transform_0, window_bounds = array<i64: 2, 2000, 128>}, {transform_indices = @transform_1, window_bounds = array<i64: 2000, 128>}, {transform_indices = @transform_2, window_bounds = array<i64: 2, 2000, 128>}, {pipeline_mode = #tpu.pipeline_mode<synchronous>, transform_indices = @transform_3, window_bounds = array<i64: 1, 128>}, {transform_indices = @transform_4, window_bounds = array<i64: 2000, 128>}]} {
    %get3A = arith.constant 0 : index
    %get3A_0 = arith.constant 0 : index
    %get3A_1 = arith.constant 0 : index
    %get3A_2 = vector.load %arg3[%get3A, %get3A_0, %get3A_1] : memref<2x2000x128xf32, #tpu.memory_space<vmem>>, vector<1x2000x1xf32>
    %get3A_3 = vector.shape_cast %get3A_2 : vector<1x2000x1xf32> to vector<2000xf32>
    %get3A_4 = arith.constant 1 : index
    %get3A_5 = arith.constant 0 : index
    %get3A_6 = arith.constant 0 : index
    %get3A_7 = vector.load %arg3[%get3A_4, %get3A_5, %get3A_6] : memref<2x2000x128xf32, #tpu.memory_space<vmem>>, vector<1x2000x1xf32>
    %get3A_8 = vector.shape_cast %get3A_7 : vector<1x2000x1xf32> to vector<2000xf32>
    %add3A = arith.addf %get3A_3, %get3A_8 : vector<2000xf32>
    %add3A_9 = arith.constant 1.000000e+00 : f32
    %add3A_10 = vector.broadcast %add3A_9 : f32 to vector<2000xf32>
    %add3A_11 = arith.addf %add3A, %add3A_10 : vector<2000xf32>
    %rsqrt3A = math.rsqrt %add3A_11 : vector<2000xf32>
    %get3A_12 = arith.constant 0 : index
    %get3A_13 = arith.constant 0 : index
    %get3A_14 = arith.constant 0 : index
    %get3A_15 = vector.load %arg1[%get3A_12, %get3A_13, %get3A_14] : memref<2x2000x128xf32, #tpu.memory_space<vmem>>, vector<1x2000x128xf32>
    %get3A_16 = vector.shape_cast %get3A_15 : vector<1x2000x128xf32> to vector<2000x128xf32>
    %get3A_17 = arith.constant 1 : index
    %get3A_18 = arith.constant 0 : index
    %get3A_19 = arith.constant 0 : index
    %get3A_20 = vector.load %arg1[%get3A_17, %get3A_18, %get3A_19] : memref<2x2000x128xf32, #tpu.memory_space<vmem>>, vector<1x2000x128xf32>
    %get3A_21 = vector.shape_cast %get3A_20 : vector<1x2000x128xf32> to vector<2000x128xf32>
    %add3A_22 = arith.addf %get3A_16, %get3A_21 : vector<2000x128xf32>
    %get3A_23 = arith.constant 0 : index
    %get3A_24 = arith.constant 0 : index
    %get3A_25 = vector.load %arg2[%get3A_23, %get3A_24] : memref<2000x128xf32, #tpu.memory_space<vmem>>, vector<2000x128xf32>
    %add3A_26 = arith.addf %add3A_22, %get3A_25 : vector<2000x128xf32>
    %broadcast_in_dim3A = vector.shape_cast %rsqrt3A : vector<2000xf32> to vector<2000x1xf32>
    %mul3A = vector.broadcast %broadcast_in_dim3A : vector<2000x1xf32> to vector<2000x128xf32>
    %mul3A_27 = arith.mulf %add3A_26, %mul3A : vector<2000x128xf32>
    %get3A_28 = arith.constant 0 : index
    %get3A_29 = arith.constant 0 : index
    %get3A_30 = vector.load %arg4[%get3A_28, %get3A_29] : memref<1x128xf32, #tpu.memory_space<vmem>>, vector<1x128xf32>
    %add3A_31 = vector.broadcast %get3A_30 : vector<1x128xf32> to vector<2000x128xf32>
    %add3A_32 = arith.addf %mul3A_27, %add3A_31 : vector<2000x128xf32>
    %swap3A = arith.constant 0 : index
    %swap3A_33 = arith.constant 0 : index
    %swap3A_34 = vector.load %arg5[%swap3A, %swap3A_33] : memref<2000x128xf32, #tpu.memory_space<vmem>>, vector<2000x128xf32>
    tpu.vector_store %arg5[%swap3A, %swap3A_33], %add3A_32 {strides = array<i32>} : memref<2000x128xf32, #tpu.memory_space<vmem>>, vector<2000x128xf32>,
    return
  }
  func.func @transform_0(%arg0: i32) -> (i32, i32, i32) {
    %c0_i32 = arith.constant 0 : i32
    %c0_i32_0 = arith.constant 0 : i32
    %c0_i32_1 = arith.constant 0 : i32
    return %c0_i32, %arg0, %c0_i32_0 : i32, i32, i32
  }
  func.func @transform_1(%arg0: i32) -> (i32, i32) {
    %c0_i32 = arith.constant 0 : i32
    %c0_i32_0 = arith.constant 0 : i32
    return %arg0, %c0_i32 : i32, i32
  }
  func.func @transform_2(%arg0: i32) -> (i32, i32, i32) {
    %c0_i32 = arith.constant 0 : i32
    %c0_i32_0 = arith.constant 0 : i32
    %c0_i32_1 = arith.constant 0 : i32
    return %c0_i32, %arg0, %c0_i32_0 : i32, i32, i32
  }
  func.func @transform_3(%arg0: i32) -> (i32, i32) {
    %c0_i32 = arith.constant 0 : i32
    %c0_i32_0 = arith.constant 0 : i32
    %c0_i32_1 = arith.constant 0 : i32
    return %c0_i32, %c0_i32_0 : i32, i32
  }
  func.func @transform_4(%arg0: i32) -> (i32, i32) {
    %c0_i32 = arith.constant 0 : i32
    %c0_i32_0 = arith.constant 0 : i32
    return %arg0, %c0_i32 : i32, i32
  }
}

</mosaic_0001>

<sc_bundles>
// kernel: kernel.6.cloned.1.call-start
scs
__scs_entry_jumppad:
0x0: {  	(pc) =	sbr.rel $0x88, $3  }
0x1: {  	(tag) =	ssettag $0x0;
	lr =	simm.s32 $0x1  }
0x2: {  	[smem:$0x3F9D] =	sst lr;
	_ =	strace $0xD0000000  }
0x3: {  	_ = 	snop  }
0x4: {  	_ = 	snop  }
0x5: {  	_ = 	snop  }
0x6: {  	_ = 	snop  }
0x7: {  	_ = 	snop  }
__scs_overlays_trampoline_lowered:
0x8: {  	[smem:$0x3FAC] =	sst s0  }
0x9: {  	[smem:$0x3FAD] =	sst s1  }
0xa: {  	[smem:$0x3FAE] =	sst s2  }
0xb: {  	[smem:$0x3FAF] =	sst s3  }
0xc: {  	[smem:$0x3FB0] =	sst s4  }
0xd: {  	[smem:$0x3FB1] =	sst s5  }
0xe: {  	[smem:$0x3FB2] =	sst s6  }
0xf: {  	[smem:$0x3FB3] =	sst s7  }
0x10: {  	[smem:$0x3FB4] =	sst s8  }
0x11: {  	[smem:$0x3FB5] =	sst s9;
	s0 =	simm.s32 @!p0 $0x0  }
0x12: {  	s1 =	sld [smem:$0x3F9B];
	s0 =	simm.s32 @p0 $0x1  }
0x13: {  	[smem:$0x3FB6] =	sst s0;
	s0 =	simm.s32 @!p1 $0x0  }
0x14: {  	s2 =	sld [smem:$0x3F9A];
	s0 =	simm.s32 @p1 $0x1  }
0x15: {  	[smem:$0x3FB7] =	sst s0;
	s0 =	simm.s32 @!p2 $0x0  }
0x16: {  	s3 =	sld [smem:$0x3FDB];
	s0 =	simm.s32 @p2 $0x1  }
0x17: {  	s4 =	simm.s32 $0x1BF5;
	[smem:$0x3FB9] =	sst s0  }
0x18: {  	s0 =	sld [smem:$0x3F9C];
	_ =	swait.ge [sflag:s4], $0x0  }
0x19: {  	s7 =	sld [smem:$0x3F9D]  }
0x1a: {  	s8 =	sadd.s32 $0xFFFFE003, lr  }
0x1b: {  	s9 =	sadd.s32 $0xFFFFFEF7, lr;
	s5 =	simm.s32 $0xFFFFFFFF;
	p2 =	slt.u32 s8, $0xFFFFF086  }
0x1c: {  	p1 =	slt.u32 s9, $0xF7A;
	s5 =	simm.s32 @!p2 $0x0  }
0x1d: {  	s5 =	simm.s32 @p1 $0x1;
	p0 =	seq.s32 s7, s2  }
0x1e: {  	s7 =	smul.u32 @!p0 $0xF7A, s2;
	p2 =	seq.s32 @!p0 s5, $0x0  }
0x1f: {  	s9 =	smul.u32 $0xF7A, s1;
	s8 =	simm.s32 @!p0 $0x1BF5;
	p2 =	por !p2, p0  }
0x20: {  	[sflag:s8] =	ssyncset.s32 @!p0 $0xFFFFF086;
	s6 =	sadd.s32 @!p0 s3, s7;
	s7 =	simm.s32 @!p0 $0x108  }
0x21: {  	s3 =	sadd.s32 s3, s9;
	s6 =	sadd.s32 @!p0 $0x88, s6;
	s7 =	simm.s32 @p2 $0x1082  }
0x22: {  	[simem:s7], [sflag:s8] =	dma.local @!p0 [hbm:s6], $0xF7A  }
0x23: {  	s9 =	sor.u32 $0xD0000000, s2;
	s6 =	simm.s32 $0x108;
	_ =	swait.ge @!p0 [sflag:s8], $0x0  }
0x24: {  	s3 =	sadd.s32 $0x88, s3;
	s6 =	simm.s32 @!p1 $0x1082;
	[sflag:s4] =	ssyncset.s32 $0xFFFFF086  }
0x25: {  	[simem:s6], [sflag:s4] =	dma.local [hbm:s3], $0xF7A  }
0x26: {  	[smem:$0x3F9D] =	sst s1;
	(tag) =	ssettag s2;
	_ =	strace s9  }
0x27: {  	s1 =	sld [smem:$0x3FAD]  }
0x28: {  	s2 =	sld [smem:$0x3FAE]  }
0x29: {  	s4 =	sld [smem:$0x3FB0]  }
0x2a: {  	p0 =	seq.s32 s5, $0x0;
	s5 =	sld [smem:$0x3FB1]  }
0x2b: {  	s6 =	sld [smem:$0x3FB2]  }
0x2c: {  	s7 =	sld [smem:$0x3FB3]  }
0x2d: {  	s3 =	simm.s32 $0x108;
	s8 =	sld [smem:$0x3FB4]  }
0x2e: {  	s3 =	simm.s32 @!p0 $0x1082;
	s9 =	sld [smem:$0x3FB5]  }
0x2f: {  	lr =	sadd.s32 s0, s3;
	s0 =	sld [smem:$0x3FAC]  }
0x30: {  	s3 =	sld [smem:$0x3FAF]  }
0x31: {  	[smem:$0x3FB8] =	sst s10  }
0x32: {  	s10 =	sld [smem:$0x3FB6];
	_ =	sdelay $0x3  }
0x33: {  	p0 =	seq.s32 s10, $0x1;
	s10 =	sld [smem:$0x3FB8];
	_ =	sdelay $0x3  }
0x34: {  	[smem:$0x3FB8] =	sst s10  }
0x35: {  	s10 =	sld [smem:$0x3FB7];
	_ =	sdelay $0x3  }
0x36: {  	p1 =	seq.s32 s10, $0x1;
	s10 =	sld [smem:$0x3FB8];
	_ =	sdelay $0x3  }
0x37: {  	[smem:$0x3FB8] =	sst s10  }
0x38: {  	s10 =	sld [smem:$0x3FB9]  }
0x39: {  	_ = 	snop;
	(pc) =	sbr.ind lr, $3  }
0x3a: {  	_ = 	snop  }
0x3b: {  	_ = 	snop  }
0x3c: {  	p2 =	seq.s32 s10, $0x1;
	s10 =	sld [smem:$0x3FB8]  }
0x3d: {  	_ =	shalt  }
0x3e: {  	_ =	shalt  }
0x3f: {  	_ =	shalt  }
0x40: {  	_ =	shalt  }
0x41: {  	_ =	shalt  }
0x42: {  	_ =	shalt  }
0x43: {  	_ =	shalt  }
0x44: {  	_ =	shalt  }
0x45: {  	_ =	shalt  }
0x46: {  	_ =	shalt  }
0x47: {  	_ =	shalt  }
0x48: {  	_ =	shalt  }
0x49: {  	_ =	shalt  }
0x4a: {  	_ =	shalt  }
0x4b: {  	_ =	shalt  }
0x4c: {  	_ =	shalt  }
0x4d: {  	_ =	shalt  }
0x4e: {  	_ =	shalt  }
0x4f: {  	_ =	shalt  }
0x50: {  	_ =	shalt  }
0x51: {  	_ =	shalt  }
0x52: {  	_ =	shalt  }
0x53: {  	_ =	shalt  }
0x54: {  	_ =	shalt  }
0x55: {  	_ =	shalt  }
0x56: {  	_ =	shalt  }
0x57: {  	_ =	shalt  }
0x58: {  	_ =	shalt  }
0x59: {  	_ =	shalt  }
0x5a: {  	_ =	shalt  }
0x5b: {  	_ =	shalt  }
0x5c: {  	_ =	shalt  }
0x5d: {  	_ =	shalt  }
0x5e: {  	_ =	shalt  }
0x5f: {  	_ =	shalt  }
0x60: {  	_ =	shalt  }
0x61: {  	_ =	shalt  }
0x62: {  	_ =	shalt  }
0x63: {  	_ =	shalt  }
0x64: {  	_ =	shalt  }
0x65: {  	_ =	shalt  }
0x66: {  	_ =	shalt  }
0x67: {  	_ =	shalt  }
0x68: {  	_ =	shalt  }
0x69: {  	_ =	shalt  }
0x6a: {  	_ =	shalt  }
0x6b: {  	_ =	shalt  }
0x6c: {  	_ =	shalt  }
0x6d: {  	_ =	shalt  }
0x6e: {  	_ =	shalt  }
0x6f: {  	_ =	shalt  }
0x70: {  	_ =	shalt  }
0x71: {  	_ =	shalt  }
0x72: {  	_ =	shalt  }
0x73: {  	_ =	shalt  }
0x74: {  	_ =	shalt  }
0x75: {  	_ =	shalt  }
0x76: {  	_ =	shalt  }
0x77: {  	_ =	shalt  }
0x78: {  	_ =	shalt  }
0x79: {  	_ =	shalt  }
0x7a: {  	_ =	shalt  }
0x7b: {  	_ =	shalt  }
0x7c: {  	_ =	shalt  }
0x7d: {  	_ =	shalt  }
0x7e: {  	_ =	shalt  }
0x7f: {  	_ =	shalt  }
0x80: {  	_ =	shalt  }
0x81: {  	_ =	shalt  }
0x82: {  	_ =	shalt  }
0x83: {  	_ =	shalt  }
0x84: {  	_ =	shalt  }
0x85: {  	_ =	shalt  }
0x86: {  	_ =	shalt  }
0x87: {  	_ =	shalt  }
.Lfunc_end0:
.L_simem_size_0:
called_computation_lowered:
.L_overlay_start_0:
0x88: {  	s2 =	sld [smem:$0x3FD9]  }
0x89: {  	s3 =	sld [smem:$0x3FFE];
	_ =	sdelay $0x1  }
0x8a: {  	s1 =	srdreg.scid  }
0x8b: {  	s0 =	sand.u32 $0x1, s1  }
0x8c: {  	s17 =	sshll.u32 s0, $0xA;
	s2 =	sadd.s32 s3, s2  }
0x8d: {  	s2 =	sadd.s32 s2, s17  }
0x8e: {  	[smem:$0x3FC4] =	sst s2  }
0x8f: {  	_ = 	snop  }
0x90: {  	s2 =	sld [smem:$0x3FD0];
	(tm) =	ssettm $0x1  }
0x91: {  	s18 =	sld [smem:$0x3FFB];
	_ =	sdelay $0x3  }
0x92: {  	_ =	strace s18  }
0x93: {  	s3 =	sld [smem:$0x3FFC];
	_ =	sdelay $0x3  }
0x94: {  	_ =	strace s3  }
0x95: {  	s3 =	sld [smem:$0x3FFD];
	_ =	sdelay $0x3  }
0x96: {  	_ =	strace s3  }
0x97: {  	_ =	strace $0x8FFFFFFF  }
0x98: {  	s19 =	sld [smem:$0x3FDB];
	_ =	sdelay $0x1  }
0x99: {  	s4 =	simm.s32 $_scs_section_size  }
0x9a: {  	s5 =	simm.s32 $_size__tile_overlayer_lowered;
	s6 =	simm.s32 $_tile_overlayer_lowered  }
0x9b: {  	s22 =	simm.s32 $0x1BFF;
	s21 =	sshll.u32 s6, $0x1;
	s3 =	sadd.s32 s4, s19  }
0x9c: {  	s7 =	simm.s32 $0x0;
	s20 =	sshll.u32 s5, $0x1;
	s5 =	sadd.s32 s21, s3  }
0x9d: {  	[timem:s7], [sflag:s22] =	dma.local [hbm:s5], s20  }
0x9e: {  	_ =	swait.ge [sflag:s22], s20  }
0x9f: {  	s4 =	ssub.s32 $0x0, s20;
	[sflag:s22] =	ssyncset.done $0x0  }
0xa0: {  	[sflag:s22] =	ssyncadd.s32 s4;
	_ =	sdelay $0x1  }
0xa1: {  	s23 =	simm.s32 $0x1B8B  }
0xa2: {  	_ =	swait.ge [sflag:s23], $0x1  }
0xa3: {  	[sflag:s23] =	ssyncset.done $0x0  }
0xa4: {  	s25 =	simm.s32 $0x1B8E;
	s24 =	sld [smem:$0x3FFE];
	[sflag:s23] =	ssyncadd.s32 $0xFFFFFFFF  }
0xa5: {  	s26 =	simm.s32 $execute0_lowered;
	[smem:$0x3FD2] =	sst s25  }
0xa6: {  	s5 =	sshll.u32 s26, $0x1;
	_ =	strace $0x80000046;
	[dreg:$0x1] =	wrdreg $0xFFFFFFFF  }
0xa7: {  	s28 =	simm.s32 $_size_execute0_lowered;
	s3 =	sadd.s32 s3, s5;
	[dreg:$0x0] =	wrdreg $0x0  }
0xa8: {  	s5 =	sshll.u32 s28, $0x1;
	[dreg:$0x2] =	wrdreg s3  }
0xa9: {  	[dreg:$0x3] =	wrdreg s5  }
0xaa: {  	[dreg:$0x4] =	wrdreg $0xC0  }
0xab: {  	_ =	task [dreg:s7], $0x5FFFF  }
0xac: {  	[dreg:$0x1] =	wrdreg $0xFFFFFFFF  }
0xad: {  	[dreg:$0x0] =	wrdreg $0x60  }
0xae: {  	[dreg:$0x2] =	wrdreg s2  }
0xaf: {  	[dreg:$0x3] =	wrdreg s24  }
0xb0: {  	[dreg:$0x4] =	wrdreg $0x68000  }
0xb1: {  	[dreg:$0x5] =	wrdreg $0x9  }
0xb2: {  	_ =	task.clear_ibuf [dreg:s7], $0x6FFFF;
	_ =	strace $0x90000046  }
0xb3: {  	s29 =	simm.s32 $0x9;
	_ =	strace $0x80000048  }
0xb4: {  	_ =	swait.ge [sflag:s29], $0x1  }
0xb5: {  	[sflag:s29] =	ssyncadd.s32 $0xFFFFFFFF  }
0xb6: {  	_ =	strace $0x90000048  }
0xb7: {  	_ =	sfence  }
0xb8: {  	s30 =	sld [smem:$0x0];
	_ =	sdelay $0x2  }
0xb9: {  	s31 =	sshll.u32 s1, $0xD;
	s1 =	sshrl.u32 s1, $0x2  }
0xba: {  	s3 =	sand.u32 $0x4000, s31;
	s1 =	sadd.s32 s1, s30  }
0xbb: {  	s0 =	sor.u32 s3, s0;
	s1 =	sshll.u32 s1, $0x11  }
0xbc: {  	s0 =	sor.u32 s1, s0  }
0xbd: {  	s0 =	sadd.s32 $0x8F2B, s0  }
0xbe: {  	[sflag:s0] =	ssyncadd.remote.s32 $0x1  }
0xbf: {  	_ =	sfence.sel $0xFFFF  }
0xc0: {  	[dreg:$0x0] =	wrdreg $0xFFFFFFFF;
	(pc) =	sbr.abs _section_cstart, $3  }
0xc1: {  	[dreg:$0x1] =	wrdreg $0xFFFFFFFF  }
0xc2: {  	_ =	task.clear_ibuf [dreg:s7], $0x2FFFF;
	_ =	strace $0x9FFFFFFF  }
0xc3: {  	(tm) =	ssettm $0x7FFFFFFF  }
tec
execute0_lowered:
.L_overlay_start_1:
0x0: {  	(tag) =	ssettag $0x1  }
0x1: {  	s6 =	rddreg [dreg:$0x0]  }
0x2: {  	s5 =	rddreg [dreg:$0x1]  }
0x3: {  	s2 =	rddreg [dreg:$0x2]  }
0x4: {  	s0 =	stileid.u32;
	s4 =	srdreg.scid  }
0x5: {  	s1 =	rddreg [dreg:$0x3];
	s3 =	simm.s32 $0x0;
	s13 =	simm.s32 $0x80  }
0x6: {  	s14 =	simm.s32 $0x1;
	s15 =	simm.s32 $0x2;
	s16 =	simm.s32 $0x2780  }
0x7: {  	s17 =	simm.s32 $0x0;
	s7 =	smul.u32 $0x14000, s0;
	s8 =	sand.u32 $0x1, s4  }
0x8: {  	[smem:$0x7FF] =	sst s3;
	s4 =	sadd.s32 $0x1800, s5;
	s11 =	smul.u32 $0x50000, s0  }
0x9: {  	s31 =	sshll.u32 s0, $0x6;
	s9 =	smul.u32 $0x140000, s8;
	_ =	strace $0x80000047  }
0xa: {  	s28 =	sshll.u32 s8, $0x4;
	s8 =	ssub.s32 $0x2, s8;
	s26 =	sshrl.u32 s7, $0x3  }
0xb: {  	s12 =	sshrl.u32 s8, $0x1;
	s29 =	sshrl.u32 s11, $0x2;
	s11 =	sor.u32 $0x1C03, s31  }
0xc: {  	s10 =	sadd.s32 s26, s5;
	s7 =	sadd.s32 s7, s9;
	s9 =	sor.u32 s0, s28  }
0xd: {  	s8 =	ssub.s32 s8, s12;
	s30 =	sadd.s32 s29, s2;
	s7 =	sshrl.u32 s7, $0x3  }
0xe: {  	s9 =	smul.u32 $0x500, s9;
	s8 =	smax.u32 s8, $0x1;
	s12 =	sshrl.u32 s30, $0x3  }
0xf: {  	s7 =	sadd.s32 s7, s5;
	s5 =	sadd.s32 $0x2000, s10;
	s10 =	simm.s32 $0x3  }
0x10: {  	s6 =	sadd.s32 s6, s9;
	s7 =	sadd.s32 $0x2A000, s7;
	s9 =	simm.s32 $0x2800  }
.LBB2_1:
0x11: {  	[tilespmem:s9], [sflag:$0x3] =	stream.linear.gather [hbm4b:s4+s3], $0x4000, $0x38;
	[tilespmem:$0x1A800] =	vst v63  }
0x12: {  	_ =	swait.ge [sflag:s10], $0x4000  }
0x13: {  	[sflag:s10] =	ssyncset.done $0x0  }
0x14: {  	[sflag:s10] =	ssyncadd.s32 $0xFFFFC000  }
0x15: {  	[spmem:s12], [sflag:s11] =	dma.local [hbm:s5], $0x2800  }
0x16: {  	_ =	swait.ge [sflag:s10], $0x2800  }
0x17: {  	[sflag:s10] =	ssyncset.done $0x0  }
0x18: {  	[sflag:s10] =	ssyncadd.s32 $0xFFFFD800  }
0x19: {  	[tilespmem:s3], [sflag:$0x3] =	stream.linear.gather [hbm4b:s6+s3], $0x2800, $0x38;
	[tilespmem:$0x1A800] =	vst v63  }
0x1a: {  	_ =	swait.ge [sflag:s10], $0x2800  }
0x1b: {  	[sflag:s10] =	ssyncset.done $0x0  }
0x1c: {  	[sflag:s10] =	ssyncadd.s32 $0xFFFFD800  }
0x1d: {  	[bflag:$0x0] =	sbarrier.arrive $0xFFFF  }
0x1e: {  	[spmem:s2] =	stream.indirect.scatter.add.f32 [tilespmem:s9], [sflag:$0x1], $0x80, s3, s13, $0xb8;
	[tilespmem:$0x1A800] =	vst v63  }
0x1f: {  	s18 =	simm.s32 $0x80  }
0x20: {  	[spmem:s2] =	stream.indirect.scatter.add.f32 [tilespmem:s9], [sflag:$0x2], $0x80, s18, s13, $0xb8;
	[tilespmem:$0x1A800] =	vst v63  }
0x21: {  	_ =	swait.ge [sflag:s14], $0x4000  }
0x22: {  	[sflag:s14] =	ssyncset.done $0x0  }
0x23: {  	s31 =	simm.s32 $0x100;
	[sflag:s14] =	ssyncadd.s32 $0xFFFFC000  }
0x24: {  	[spmem:s2] =	stream.indirect.scatter.add.f32 [tilespmem:s9], [sflag:$0x1], $0x80, s31, s13, $0xb8;
	[tilespmem:$0x1A800] =	vst v63  }
0x25: {  	_ =	swait.ge [sflag:s15], $0x4000  }
0x26: {  	s19 =	simm.s32 $0xFFFF6C00;
	s18 =	simm.s32 $0xFFFFDA00;
	[sflag:s15] =	ssyncset.done $0x0  }
.LBB2_2:
0x27: {  	s20 =	sadd.s32 $0x2780, s18  }
0x28: {  	[sflag:s15] =	ssyncadd.s32 $0xFFFFC000;
	s21 =	smov.u32 s19;
	s22 =	sadd.s32 $0x400, s19  }
0x29: {  	[spmem:s2] =	stream.indirect.scatter.add.f32 [tilespmem:s9], [sflag:$0x2], $0x80, s20, s13, $0xb8;
	[tilespmem:$0x1A800] =	vst v63  }
0x2a: {  	p0 =	sne.s32 s19, $0xFFFFFC00;
	_ =	swait.ge [sflag:s14], $0x4000  }
.Ltmp0:
0x2b: {  	[sflag:s14] =	ssyncset.done $0x0;
	(pc) =	sbr.rel @p0 .LBB2_2-.Ltmp0, $4  }
0x2c: {  	s18 =	sadd.s32 $0x2800, s18;
	[sflag:s14] =	ssyncadd.s32 $0xFFFFC000  }
0x2d: {  	[spmem:s2] =	stream.indirect.scatter.add.f32 [tilespmem:s9], [sflag:$0x1], $0x80, s18, s13, $0xb8;
	[tilespmem:$0x1A800] =	vst v63  }
0x2e: {  	_ =	swait.ge [sflag:s15], $0x4000  }
0x2f: {  	s19 =	smov.u32 s22;
	s18 =	sshra.s32 s21, $0x2;
	[sflag:s15] =	ssyncset.done $0x0  }
0x30: {  	s19 =	sadd.s32 $0x2780, s18;
	[sflag:s15] =	ssyncadd.s32 $0xFFFFC000  }
0x31: {  	[spmem:s2] =	stream.indirect.scatter.add.f32 [tilespmem:s9], [sflag:$0x2], $0x80, s19, s13, $0xb8;
	[tilespmem:$0x1A800] =	vst v63  }
0x32: {  	_ =	swait.ge [sflag:s14], $0x4000  }
0x33: {  	[sflag:s14] =	ssyncset.done $0x0  }
0x34: {  	s31 =	sadd.s32 $0x2800, s18;
	[sflag:s14] =	ssyncadd.s32 $0xFFFFC000  }
0x35: {  	[spmem:s2] =	stream.indirect.scatter.add.f32 [tilespmem:s9], [sflag:$0x1], $0x80, s31, s13, $0xb8;
	[tilespmem:$0x1A800] =	vst v63  }
0x36: {  	_ =	swait.ge [sflag:s15], $0x4000  }
0x37: {  	[sflag:s15] =	ssyncset.done $0x0  }
0x38: {  	[sflag:s15] =	ssyncadd.s32 $0xFFFFC000  }
0x39: {  	[spmem:s2] =	stream.indirect.scatter.add.f32 [tilespmem:s9], [sflag:$0x2], $0x80, s16, s13, $0xb8;
	[tilespmem:$0x1A800] =	vst v63  }
0x3a: {  	_ =	swait.ge [sflag:s14], $0x4000  }
0x3b: {  	[sflag:s14] =	ssyncset.done $0x0  }
0x3c: {  	[sflag:s14] =	ssyncadd.s32 $0xFFFFC000  }
0x3d: {  	_ =	swait.ge [sflag:s15], $0x4000  }
0x3e: {  	s17 =	sadd.s32 $0x1, s17;
	[sflag:s15] =	ssyncset.done $0x0  }
0x3f: {  	p0 =	sne.s32 s17, s8;
	[sflag:s15] =	ssyncadd.s32 $0xFFFFC000  }
.Ltmp1:
0x40: {  	[bflag:$0x0] =	sbarrier.arrive $0xFFFF;
	(pc) =	sbr.rel @p0 .LBB2_1-.Ltmp1, $4  }
0x41: {  	[hbm:s7], [sflag:s11] =	dma.local [spmem:s12], $0x2800  }
0x42: {  	_ =	swait.ge [sflag:s10], $0x2800  }
0x43: {  	[sflag:s10] =	ssyncset.done $0x0  }
0x44: {  	[sflag:s10] =	ssyncadd.s32 $0xFFFFD800  }
0x45: {  	_ =	sfence.sel $0x180000  }
0x46: {  	[bflag:$0x0] =	sbarrier.arrive $0xFFFF  }
0x47: {  	p0 =	sne.s32 s0, $0x0;
	_ =	strace $0x90000047  }
0x48: {  	s0 =	sadd.s32 @!p0 $0x100000, s1;
	[bflag:$0x2] =	sbarrier.arrive $0xFFFF  }
0x49: {  	[sflag:s0] =	ssyncadd.tile.s32 @!p0 $0x1;
	_ =	shalt  }
.Lfunc_end2:
_tile_overlayer_lowered:
.L_overlay_start_2:
0x4a: {  	(tag) =	ssettag $0x2  }
0x4b: {  	s0 =	rddreg [dreg:$0x0];
	s2 =	stileid.u32  }
0x4c: {  	s1 =	rddreg [dreg:$0x1];
	p0 =	sne.s32 s2, $0x0  }
0x4d: {  	s3 =	rddreg [dreg:$0x2];
	[bflag:$0x3] =	sbarrier.arrive $0xFFFF;
	s2 =	simm.s32 @!p0 $0x1C03  }
0x4e: {  	[timem:s3], [sflag:s2] =	dma.local @!p0 [hbm:s0], s1  }
0x4f: {  	s0 =	simm.s32 @!p0 $0x3  }
0x50: {  	_ =	swait.ge @!p0 [sflag:s0], s1  }
0x51: {  	s1 =	ssub.s32 @!p0 $0x0, s1;
	[sflag:s0] =	ssyncset.done @!p0 $0x0  }
0x52: {  	[sflag:s0] =	ssyncadd.s32 @!p0 s1  }
0x53: {  	[bflag:$0x3] =	sbarrier.arrive $0xFFFF  }
0x54: {  	_ =	shalt  }

// kernel: kernel.9.cloned.1.call-start
scs
__scs_entry_jumppad:
0x0: {  	(pc) =	sbr.rel $0x88, $3  }
0x1: {  	(tag) =	ssettag $0x0;
	lr =	simm.s32 $0x1  }
0x2: {  	[smem:$0x3F9D] =	sst lr;
	_ =	strace $0xD0000000  }
0x3: {  	_ = 	snop  }
0x4: {  	_ = 	snop  }
0x5: {  	_ = 	snop  }
0x6: {  	_ = 	snop  }
0x7: {  	_ = 	snop  }
__scs_overlays_trampoline_lowered:
0x8: {  	[smem:$0x3FAC] =	sst s0  }
0x9: {  	[smem:$0x3FAD] =	sst s1  }
0xa: {  	[smem:$0x3FAE] =	sst s2  }
0xb: {  	[smem:$0x3FAF] =	sst s3  }
0xc: {  	[smem:$0x3FB0] =	sst s4  }
0xd: {  	[smem:$0x3FB1] =	sst s5  }
0xe: {  	[smem:$0x3FB2] =	sst s6  }
0xf: {  	[smem:$0x3FB3] =	sst s7  }
0x10: {  	[smem:$0x3FB4] =	sst s8  }
0x11: {  	[smem:$0x3FB5] =	sst s9;
	s0 =	simm.s32 @!p0 $0x0  }
0x12: {  	s1 =	sld [smem:$0x3F9B];
	s0 =	simm.s32 @p0 $0x1  }
0x13: {  	[smem:$0x3FB6] =	sst s0;
	s0 =	simm.s32 @!p1 $0x0  }
0x14: {  	s2 =	sld [smem:$0x3F9A];
	s0 =	simm.s32 @p1 $0x1  }
0x15: {  	[smem:$0x3FB7] =	sst s0;
	s0 =	simm.s32 @!p2 $0x0  }
0x16: {  	s3 =	sld [smem:$0x3FDB];
	s0 =	simm.s32 @p2 $0x1  }
0x17: {  	s4 =	simm.s32 $0x1BF5;
	[smem:$0x3FB9] =	sst s0  }
0x18: {  	s0 =	sld [smem:$0x3F9C];
	_ =	swait.ge [sflag:s4], $0x0  }
0x19: {  	s7 =	sld [smem:$0x3F9D]  }
0x1a: {  	s8 =	sadd.s32 $0xFFFFE003, lr  }
0x1b: {  	s9 =	sadd.s32 $0xFFFFFEF7, lr;
	s5 =	simm.s32 $0xFFFFFFFF;
	p2 =	slt.u32 s8, $0xFFFFF086  }
0x1c: {  	p1 =	slt.u32 s9, $0xF7A;
	s5 =	simm.s32 @!p2 $0x0  }
0x1d: {  	s5 =	simm.s32 @p1 $0x1;
	p0 =	seq.s32 s7, s2  }
0x1e: {  	s7 =	smul.u32 @!p0 $0xF7A, s2;
	p2 =	seq.s32 @!p0 s5, $0x0  }
0x1f: {  	s9 =	smul.u32 $0xF7A, s1;
	s8 =	simm.s32 @!p0 $0x1BF5;
	p2 =	por !p2, p0  }
0x20: {  	[sflag:s8] =	ssyncset.s32 @!p0 $0xFFFFF086;
	s6 =	sadd.s32 @!p0 s3, s7;
	s7 =	simm.s32 @!p0 $0x108  }
0x21: {  	s3 =	sadd.s32 s3, s9;
	s6 =	sadd.s32 @!p0 $0x88, s6;
	s7 =	simm.s32 @p2 $0x1082  }
0x22: {  	[simem:s7], [sflag:s8] =	dma.local @!p0 [hbm:s6], $0xF7A  }
0x23: {  	s9 =	sor.u32 $0xD0000000, s2;
	s6 =	simm.s32 $0x108;
	_ =	swait.ge @!p0 [sflag:s8], $0x0  }
0x24: {  	s3 =	sadd.s32 $0x88, s3;
	s6 =	simm.s32 @!p1 $0x1082;
	[sflag:s4] =	ssyncset.s32 $0xFFFFF086  }
0x25: {  	[simem:s6], [sflag:s4] =	dma.local [hbm:s3], $0xF7A  }
0x26: {  	[smem:$0x3F9D] =	sst s1;
	(tag) =	ssettag s2;
	_ =	strace s9  }
0x27: {  	s1 =	sld [smem:$0x3FAD]  }
0x28: {  	s2 =	sld [smem:$0x3FAE]  }
0x29: {  	s4 =	sld [smem:$0x3FB0]  }
0x2a: {  	p0 =	seq.s32 s5, $0x0;
	s5 =	sld [smem:$0x3FB1]  }
0x2b: {  	s6 =	sld [smem:$0x3FB2]  }
0x2c: {  	s7 =	sld [smem:$0x3FB3]  }
0x2d: {  	s3 =	simm.s32 $0x108;
	s8 =	sld [smem:$0x3FB4]  }
0x2e: {  	s3 =	simm.s32 @!p0 $0x1082;
	s9 =	sld [smem:$0x3FB5]  }
0x2f: {  	lr =	sadd.s32 s0, s3;
	s0 =	sld [smem:$0x3FAC]  }
0x30: {  	s3 =	sld [smem:$0x3FAF]  }
0x31: {  	[smem:$0x3FB8] =	sst s10  }
0x32: {  	s10 =	sld [smem:$0x3FB6];
	_ =	sdelay $0x3  }
0x33: {  	p0 =	seq.s32 s10, $0x1;
	s10 =	sld [smem:$0x3FB8];
	_ =	sdelay $0x3  }
0x34: {  	[smem:$0x3FB8] =	sst s10  }
0x35: {  	s10 =	sld [smem:$0x3FB7];
	_ =	sdelay $0x3  }
0x36: {  	p1 =	seq.s32 s10, $0x1;
	s10 =	sld [smem:$0x3FB8];
	_ =	sdelay $0x3  }
0x37: {  	[smem:$0x3FB8] =	sst s10  }
0x38: {  	s10 =	sld [smem:$0x3FB9]  }
0x39: {  	_ = 	snop;
	(pc) =	sbr.ind lr, $3  }
0x3a: {  	_ = 	snop  }
0x3b: {  	_ = 	snop  }
0x3c: {  	p2 =	seq.s32 s10, $0x1;
	s10 =	sld [smem:$0x3FB8]  }
0x3d: {  	_ =	shalt  }
0x3e: {  	_ =	shalt  }
0x3f: {  	_ =	shalt  }
0x40: {  	_ =	shalt  }
0x41: {  	_ =	shalt  }
0x42: {  	_ =	shalt  }
0x43: {  	_ =	shalt  }
0x44: {  	_ =	shalt  }
0x45: {  	_ =	shalt  }
0x46: {  	_ =	shalt  }
0x47: {  	_ =	shalt  }
0x48: {  	_ =	shalt  }
0x49: {  	_ =	shalt  }
0x4a: {  	_ =	shalt  }
0x4b: {  	_ =	shalt  }
0x4c: {  	_ =	shalt  }
0x4d: {  	_ =	shalt  }
0x4e: {  	_ =	shalt  }
0x4f: {  	_ =	shalt  }
0x50: {  	_ =	shalt  }
0x51: {  	_ =	shalt  }
0x52: {  	_ =	shalt  }
0x53: {  	_ =	shalt  }
0x54: {  	_ =	shalt  }
0x55: {  	_ =	shalt  }
0x56: {  	_ =	shalt  }
0x57: {  	_ =	shalt  }
0x58: {  	_ =	shalt  }
0x59: {  	_ =	shalt  }
0x5a: {  	_ =	shalt  }
0x5b: {  	_ =	shalt  }
0x5c: {  	_ =	shalt  }
0x5d: {  	_ =	shalt  }
0x5e: {  	_ =	shalt  }
0x5f: {  	_ =	shalt  }
0x60: {  	_ =	shalt  }
0x61: {  	_ =	shalt  }
0x62: {  	_ =	shalt  }
0x63: {  	_ =	shalt  }
0x64: {  	_ =	shalt  }
0x65: {  	_ =	shalt  }
0x66: {  	_ =	shalt  }
0x67: {  	_ =	shalt  }
0x68: {  	_ =	shalt  }
0x69: {  	_ =	shalt  }
0x6a: {  	_ =	shalt  }
0x6b: {  	_ =	shalt  }
0x6c: {  	_ =	shalt  }
0x6d: {  	_ =	shalt  }
0x6e: {  	_ =	shalt  }
0x6f: {  	_ =	shalt  }
0x70: {  	_ =	shalt  }
0x71: {  	_ =	shalt  }
0x72: {  	_ =	shalt  }
0x73: {  	_ =	shalt  }
0x74: {  	_ =	shalt  }
0x75: {  	_ =	shalt  }
0x76: {  	_ =	shalt  }
0x77: {  	_ =	shalt  }
0x78: {  	_ =	shalt  }
0x79: {  	_ =	shalt  }
0x7a: {  	_ =	shalt  }
0x7b: {  	_ =	shalt  }
0x7c: {  	_ =	shalt  }
0x7d: {  	_ =	shalt  }
0x7e: {  	_ =	shalt  }
0x7f: {  	_ =	shalt  }
0x80: {  	_ =	shalt  }
0x81: {  	_ =	shalt  }
0x82: {  	_ =	shalt  }
0x83: {  	_ =	shalt  }
0x84: {  	_ =	shalt  }
0x85: {  	_ =	shalt  }
0x86: {  	_ =	shalt  }
0x87: {  	_ =	shalt  }
.Lfunc_end0:
.L_simem_size_0:
called_computation.1_lowered:
.L_overlay_start_0:
0x88: {  	s2 =	sld [smem:$0x3FD9]  }
0x89: {  	s3 =	sld [smem:$0x3FFE];
	_ =	sdelay $0x1  }
0x8a: {  	s1 =	srdreg.scid  }
0x8b: {  	s0 =	sand.u32 $0x1, s1  }
0x8c: {  	s17 =	sshll.u32 s0, $0xA;
	s2 =	sadd.s32 s3, s2  }
0x8d: {  	s2 =	sadd.s32 s2, s17  }
0x8e: {  	[smem:$0x3FC4] =	sst s2  }
0x8f: {  	_ = 	snop  }
0x90: {  	s2 =	sld [smem:$0x3FD0];
	(tm) =	ssettm $0x1  }
0x91: {  	s18 =	sld [smem:$0x3FFB];
	_ =	sdelay $0x3  }
0x92: {  	_ =	strace s18  }
0x93: {  	s3 =	sld [smem:$0x3FFC];
	_ =	sdelay $0x3  }
0x94: {  	_ =	strace s3  }
0x95: {  	s3 =	sld [smem:$0x3FFD];
	_ =	sdelay $0x3  }
0x96: {  	_ =	strace s3  }
0x97: {  	_ =	strace $0x8FFFFFFF  }
0x98: {  	s19 =	sld [smem:$0x3FDB];
	_ =	sdelay $0x1  }
0x99: {  	s4 =	simm.s32 $_scs_section_size  }
0x9a: {  	s5 =	simm.s32 $_size__tile_overlayer_lowered;
	s6 =	simm.s32 $_tile_overlayer_lowered  }
0x9b: {  	s22 =	simm.s32 $0x1BFF;
	s21 =	sshll.u32 s6, $0x1;
	s3 =	sadd.s32 s4, s19  }
0x9c: {  	s7 =	simm.s32 $0x0;
	s20 =	sshll.u32 s5, $0x1;
	s5 =	sadd.s32 s21, s3  }
0x9d: {  	[timem:s7], [sflag:s22] =	dma.local [hbm:s5], s20  }
0x9e: {  	_ =	swait.ge [sflag:s22], s20  }
0x9f: {  	s4 =	ssub.s32 $0x0, s20;
	[sflag:s22] =	ssyncset.done $0x0  }
0xa0: {  	[sflag:s22] =	ssyncadd.s32 s4;
	_ =	sdelay $0x1  }
0xa1: {  	s23 =	simm.s32 $0x1B8B  }
0xa2: {  	_ =	swait.ge [sflag:s23], $0x1  }
0xa3: {  	[sflag:s23] =	ssyncset.done $0x0  }
0xa4: {  	s25 =	simm.s32 $0x1B8E;
	s24 =	sld [smem:$0x3FFE];
	[sflag:s23] =	ssyncadd.s32 $0xFFFFFFFF  }
0xa5: {  	s26 =	simm.s32 $execute0_lowered;
	[smem:$0x3FD2] =	sst s25  }
0xa6: {  	s5 =	sshll.u32 s26, $0x1;
	_ =	strace $0x80000049;
	[dreg:$0x1] =	wrdreg $0xFFFFFFFF  }
0xa7: {  	s28 =	simm.s32 $_size_execute0_lowered;
	s3 =	sadd.s32 s3, s5;
	[dreg:$0x0] =	wrdreg $0x0  }
0xa8: {  	s5 =	sshll.u32 s28, $0x1;
	[dreg:$0x2] =	wrdreg s3  }
0xa9: {  	[dreg:$0x3] =	wrdreg s5  }
0xaa: {  	[dreg:$0x4] =	wrdreg $0xC0  }
0xab: {  	_ =	task [dreg:s7], $0x5FFFF  }
0xac: {  	[dreg:$0x1] =	wrdreg $0xFFFFFFFF  }
0xad: {  	[dreg:$0x0] =	wrdreg $0x60  }
0xae: {  	[dreg:$0x2] =	wrdreg s24  }
0xaf: {  	[dreg:$0x3] =	wrdreg s2  }
0xb0: {  	[dreg:$0x4] =	wrdreg $0xA8000  }
0xb1: {  	[dreg:$0x5] =	wrdreg $0x9  }
0xb2: {  	_ =	task.clear_ibuf [dreg:s7], $0x6FFFF;
	_ =	strace $0x90000049  }
0xb3: {  	s29 =	simm.s32 $0x9;
	_ =	strace $0x8000004B  }
0xb4: {  	_ =	swait.ge [sflag:s29], $0x1  }
0xb5: {  	[sflag:s29] =	ssyncadd.s32 $0xFFFFFFFF  }
0xb6: {  	_ =	strace $0x9000004B  }
0xb7: {  	_ =	sfence  }
0xb8: {  	s30 =	sld [smem:$0x0];
	_ =	sdelay $0x2  }
0xb9: {  	s31 =	sshll.u32 s1, $0xD;
	s1 =	sshrl.u32 s1, $0x2  }
0xba: {  	s3 =	sand.u32 $0x4000, s31;
	s1 =	sadd.s32 s1, s30  }
0xbb: {  	s0 =	sor.u32 s3, s0;
	s1 =	sshll.u32 s1, $0x11  }
0xbc: {  	s0 =	sor.u32 s1, s0  }
0xbd: {  	s0 =	sadd.s32 $0x8F2B, s0  }
0xbe: {  	[sflag:s0] =	ssyncadd.remote.s32 $0x1  }
0xbf: {  	_ =	sfence.sel $0xFFFF  }
0xc0: {  	[dreg:$0x0] =	wrdreg $0xFFFFFFFF;
	(pc) =	sbr.abs _section_cstart, $3  }
0xc1: {  	[dreg:$0x1] =	wrdreg $0xFFFFFFFF  }
0xc2: {  	_ =	task.clear_ibuf [dreg:s7], $0x2FFFF;
	_ =	strace $0x9FFFFFFF  }
0xc3: {  	(tm) =	ssettm $0x7FFFFFFF  }
tec
execute0_lowered:
.L_overlay_start_1:
0x0: {  	(tag) =	ssettag $0x1  }
0x1: {  	s0 =	rddreg [dreg:$0x0]  }
0x2: {  	s2 =	rddreg [dreg:$0x1]  }
0x3: {  	s3 =	rddreg [dreg:$0x2];
	s10 =	stileid.u32  }
0x4: {  	s1 =	srdreg.scid;
	s12 =	simm.s32 $0x0;
	s13 =	simm.s32 $0x9  }
0x5: {  	s14 =	simm.s32 $0x1400;
	s15 =	simm.s32 $0x40;
	s16 =	simm.s32 $0x2800  }
0x6: {  	s18 =	simm.s32 $0x4800;
	s20 =	simm.s32 $0x6800;
	s21 =	simm.s32 $0x1  }
0x7: {  	s29 =	simm.s32 $0x3;
	s30 =	simm.s32 $0x6;
	s31 =	simm.s32 $0x280  }
0x8: {  	s11 =	simm.s32 $0x1580;
	s4 =	smul.u32 $0x14000, s10;
	s1 =	sand.u32 $0x1, s1  }
0x9: {  	[smem:$0x7FF] =	sst s12;
	s5 =	sadd.s32 $0x8E000, s0;
	s9 =	smul.u32 $0x50000, s10  }
0xa: {  	s6 =	sadd.s32 $0x7A000, s0;
	s26 =	sshll.u32 s10, $0x6;
	s7 =	smul.u32 $0x140000, s1  }
0xb: {  	_ =	strace $0x8000004A;
	s23 =	ssub.s32 $0x2, s1;
	s1 =	sshll.u32 s1, $0x4  }
0xc: {  	s17 =	sor.u32 $0x1C09, s26;
	s8 =	sshrl.u32 s4, $0x3;
	s24 =	sshrl.u32 s23, $0x1  }
0xd: {  	s25 =	sshrl.u32 s9, $0x2;
	s1 =	sor.u32 s10, s1;
	s10 =	simm.s32 $0x300  }
0xe: {  	[dreg:$0x6] =	wrdreg s17;
	s4 =	sadd.s32 s4, s7;
	s8 =	sadd.s32 s8, s0  }
0xf: {  	s7 =	sadd.s32 s25, s3;
	s9 =	smul.u32 $0x5000, s1;
	s25 =	simm.s32 $0x5  }
0x10: {  	s1 =	simm.s32 $0x4;
	s4 =	sshrl.u32 s4, $0x3;
	s8 =	sadd.s32 $0x2000, s8  }
.Ltmp0:
0x11: {  	s19 =	sshrl.u32 s7, $0x3;
	s7 =	simm.s32 $0x7;
	(pc) =	sbr.rel .LBB2_1-.Ltmp0, $4  }
0x12: {  	s0 =	sadd.s32 s4, s0;
	s4 =	ssub.s32 s23, s24;
	[dreg:$0x5] =	wrdreg s8  }
0x13: {  	s23 =	simm.s32 $0x8800;
	[dreg:$0x9] =	wrdreg s19;
	s0 =	sadd.s32 $0xA2000, s0  }
0x14: {  	s24 =	simm.s32 $0x2;
	s28 =	smax.u32 s4, $0x1;
	[dreg:$0x7] =	wrdreg s0  }
0x15: {  	s8 =	simm.s32 $0x8;
	[dreg:$0x8] =	wrdreg s28;
	s0 =	simm.s32 $0x1500  }
.LBB2_6:
0x16: {  	[bflag:$0x0] =	sbarrier.arrive $0xFFFF  }
0x17: {  	s17 =	rddreg [dreg:$0x6]  }
0x18: {  	s4 =	rddreg [dreg:$0x7]  }
0x19: {  	s19 =	rddreg [dreg:$0x9]  }
0x1a: {  	[hbm:s4], [sflag:s17] =	dma.local [spmem:s19], $0x2800  }
0x1b: {  	_ =	swait.ge [sflag:s13], $0x2800  }
0x1c: {  	s12 =	rddreg [dreg:$0x4]  }
0x1d: {  	s28 =	rddreg [dreg:$0x8];
	s12 =	sadd.s32 $0x1, s12  }
0x1e: {  	p0 =	sne.s32 s12, s28  }
.Ltmp1:
0x1f: {  	_ = 	snop;
	(pc) =	sbr.rel @!p0 .LBB2_7-.Ltmp1, $3  }
0x20: {  	_ =	sdelay $0x1  }
0x21: {  	[sflag:s13] =	ssyncset.done $0x0  }
0x22: {  	[sflag:s13] =	ssyncadd.s32 $0xFFFFD800  }
.LBB2_1:
0x23: {  	[dreg:$0x4] =	wrdreg s12  }
0x24: {  	s4 =	rddreg [dreg:$0x5]  }
0x25: {  	[spmem:s19], [sflag:s17] =	dma.local [hbm:s4], $0x2800  }
.Ltmp2:
0x26: {  	_ =	swait.ge [sflag:s13], $0x2800;
	(pc) =	sbr.rel .LBB2_2-.Ltmp2, $4  }
0x27: {  	[sflag:s13] =	ssyncset.done $0x0  }
0x28: {  	[sflag:s13] =	ssyncadd.s32 $0xFFFFD800  }
0x29: {  	[bflag:$0x0] =	sbarrier.arrive $0xFFFF  }
0x2a: {  	s12 =	simm.s32 $0x0  }
.LBB2_5:
0x2b: {  	[spmem:s3] =	stream.indirect.scatter.add.f32 [tilespmem:s23], [sflag:$0x8], $0x80, s19, s15, $0xb8;
	[tilespmem:$0x1E800] =	vst v63  }
0x2c: {  	_ =	swait.ge [sflag:s25], $0x2000  }
0x2d: {  	[sflag:s25] =	ssyncset.done $0x0  }
0x2e: {  	[sflag:s25] =	ssyncadd.s32 $0xFFFFE000  }
0x2f: {  	_ =	swait.ge [sflag:s30], $0x2000  }
0x30: {  	[sflag:s30] =	ssyncset.done $0x0  }
0x31: {  	s12 =	sadd.s32 $0x1, s12;
	[sflag:s30] =	ssyncadd.s32 $0xFFFFE000  }
0x32: {  	p0 =	sne.s32 s12, $0x4;
	_ =	swait.ge [sflag:s7], $0x2000  }
.Ltmp3:
0x33: {  	[sflag:s7] =	ssyncset.done $0x0;
	(pc) =	sbr.rel @!p0 .LBB2_6-.Ltmp3, $4  }
0x34: {  	[sflag:s7] =	ssyncadd.s32 $0xFFFFE000  }
0x35: {  	_ =	swait.ge [sflag:s8], $0x2000  }
0x36: {  	[sflag:s8] =	ssyncset.done $0x0  }
0x37: {  	[sflag:s8] =	ssyncadd.s32 $0xFFFFE000  }
.LBB2_2:
0x38: {  	s4 =	smul.u32 $0x1400, s12;
	_ =	sdelay $0x1  }
0x39: {  	s4 =	sadd.s32 s9, s4  }
0x3a: {  	s17 =	sshrl.u32 s4, $0x3  }
0x3b: {  	s4 =	simm.s32 $0x0;
	s19 =	sadd.s32 s5, s17  }
0x3c: {  	[tilespmem:s4], [sflag:$0x9] =	stream.linear.gather [hbm4b:s19+s4], $0x1400, $0x38;
	[tilespmem:$0x1E800] =	vst v63  }
0x3d: {  	_ =	swait.ge [sflag:s13], $0x1400  }
0x3e: {  	[sflag:s13] =	ssyncset.done $0x0  }
0x3f: {  	s17 =	sadd.s32 s6, s17;
	[sflag:s13] =	ssyncadd.s32 $0xFFFFEC00  }
0x40: {  	[tilespmem:s14], [sflag:$0x9] =	stream.linear.gather [hbm4b:s17+s4], $0x1400, $0x38;
	[tilespmem:$0x1E800] =	vst v63  }
0x41: {  	_ =	swait.ge [sflag:s13], $0x1400  }
0x42: {  	[sflag:s13] =	ssyncset.done $0x0  }
0x43: {  	[sflag:s13] =	ssyncadd.s32 $0xFFFFEC00  }
0x44: {  	[tilespmem:s16], [sflag:$0x1] =	stream.indirect.gather [hbm4b:s2+s15], $0x80, s4, s15, $0xb8;
	[tilespmem:$0x1E800] =	vst v63  }
0x45: {  	s28 =	simm.s32 $0x80  }
0x46: {  	[tilespmem:s18], [sflag:$0x2] =	stream.indirect.gather [hbm4b:s2+s15], $0x80, s28, s15, $0xb8;
	[tilespmem:$0x1E800] =	vst v63  }
0x47: {  	s19 =	simm.s32 $0x100  }
0x48: {  	[tilespmem:s20], [sflag:$0x3] =	stream.indirect.gather [hbm4b:s2+s15], $0x80, s19, s15, $0xb8;
	[tilespmem:$0x1E800] =	vst v63  }
0x49: {  	_ =	swait.ge [sflag:s21], $0x2000  }
0x4a: {  	[sflag:s21] =	ssyncset.done $0x0  }
0x4b: {  	s22 =	simm.s32 $0x180;
	[sflag:s21] =	ssyncadd.s32 $0xFFFFE000  }
0x4c: {  	[tilespmem:s23], [sflag:$0x4] =	stream.indirect.gather [hbm4b:s2+s15], $0x80, s22, s15, $0xb8;
	[tilespmem:$0x1E800] =	vst v63  }
0x4d: {  	_ = 	snop  }
0x4e: {  	[spmem:s3] =	stream.indirect.scatter.add.f32 [tilespmem:s16], [sflag:$0x5], $0x80, s14, s15, $0xb8;
	[tilespmem:$0x1E800] =	vst v63  }
0x4f: {  	_ =	swait.ge [sflag:s24], $0x2000  }
0x50: {  	[sflag:s24] =	ssyncset.done $0x0  }
0x51: {  	[sflag:s24] =	ssyncadd.s32 $0xFFFFE000  }
0x52: {  	_ =	swait.ge [sflag:s25], $0x2000  }
0x53: {  	[sflag:s25] =	ssyncset.done $0x0  }
0x54: {  	s26 =	simm.s32 $0x200;
	[sflag:s25] =	ssyncadd.s32 $0xFFFFE000  }
0x55: {  	[tilespmem:s16], [sflag:$0x1] =	stream.indirect.gather [hbm4b:s2+s15], $0x80, s26, s15, $0xb8;
	[tilespmem:$0x1E800] =	vst v63  }
0x56: {  	s28 =	simm.s32 $0x1480  }
0x57: {  	[spmem:s3] =	stream.indirect.scatter.add.f32 [tilespmem:s18], [sflag:$0x6], $0x80, s28, s15, $0xb8;
	[tilespmem:$0x1E800] =	vst v63  }
0x58: {  	_ =	swait.ge [sflag:s29], $0x2000  }
0x59: {  	[sflag:s29] =	ssyncset.done $0x0  }
0x5a: {  	[sflag:s29] =	ssyncadd.s32 $0xFFFFE000  }
0x5b: {  	_ =	swait.ge [sflag:s30], $0x2000  }
0x5c: {  	[sflag:s30] =	ssyncset.done $0x0  }
0x5d: {  	[sflag:s30] =	ssyncadd.s32 $0xFFFFE000  }
0x5e: {  	[tilespmem:s18], [sflag:$0x2] =	stream.indirect.gather [hbm4b:s2+s15], $0x80, s31, s15, $0xb8;
	[tilespmem:$0x1E800] =	vst v63  }
0x5f: {  	_ = 	snop  }
0x60: {  	[spmem:s3] =	stream.indirect.scatter.add.f32 [tilespmem:s20], [sflag:$0x7], $0x80, s0, s15, $0xb8;
	[tilespmem:$0x1E800] =	vst v63  }
0x61: {  	_ =	swait.ge [sflag:s1], $0x2000  }
0x62: {  	[sflag:s1] =	ssyncset.done $0x0  }
0x63: {  	[sflag:s1] =	ssyncadd.s32 $0xFFFFE000  }
0x64: {  	_ =	swait.ge [sflag:s7], $0x2000  }
0x65: {  	[sflag:s7] =	ssyncset.done $0x0  }
0x66: {  	[sflag:s7] =	ssyncadd.s32 $0xFFFFE000  }
0x67: {  	[tilespmem:s20], [sflag:$0x3] =	stream.indirect.gather [hbm4b:s2+s15], $0x80, s10, s15, $0xb8;
	[tilespmem:$0x1E800] =	vst v63  }
0x68: {  	_ = 	snop  }
0x69: {  	[spmem:s3] =	stream.indirect.scatter.add.f32 [tilespmem:s23], [sflag:$0x8], $0x80, s11, s15, $0xb8;
	[tilespmem:$0x1E800] =	vst v63  }
.LBB2_3:
0x6a: {  	_ =	swait.ge [sflag:s21], $0x2000  }
0x6b: {  	[sflag:s21] =	ssyncset.done $0x0  }
0x6c: {  	[sflag:s21] =	ssyncadd.s32 $0xFFFFE000  }
0x6d: {  	_ =	swait.ge [sflag:s8], $0x2000  }
0x6e: {  	s17 =	sshra.s32 s4, $0x2;
	[sflag:s8] =	ssyncset.done $0x0  }
0x6f: {  	s19 =	sadd.s32 $0x380, s17;
	[sflag:s8] =	ssyncadd.s32 $0xFFFFE000  }
0x70: {  	[tilespmem:s23], [sflag:$0x4] =	stream.indirect.gather [hbm4b:s2+s15], $0x80, s19, s15, $0xb8;
	[tilespmem:$0x1E800] =	vst v63  }
0x71: {  	s26 =	sadd.s32 $0x1600, s17  }
0x72: {  	[spmem:s3] =	stream.indirect.scatter.add.f32 [tilespmem:s16], [sflag:$0x5], $0x80, s26, s15, $0xb8;
	[tilespmem:$0x1E800] =	vst v63  }
0x73: {  	p0 =	seq.s32 s4, $0x4000;
	_ =	swait.ge [sflag:s24], $0x2000  }
0x74: {  	s22 =	simm.s32 @p0 $0x40;
	s19 =	sshra.s32 @p0 s4, $0x2;
	[sflag:s24] =	ssyncset.done $0x0  }
0x75: {  	s19 =	sadd.s32 @p0 $0x1680, s19;
	s26 =	simm.s32 @p0 $0x4800;
	[sflag:s24] =	ssyncadd.s32 $0xFFFFE000  }
0x76: {  	[spmem:s3] =	stream.indirect.scatter.add.f32 @p0 [tilespmem:s26], [sflag:$0x6], $0x80, s19, s22, $0xb8;
	[tilespmem:$0x1E800] =	vst v63  }
0x77: {  	s19 =	simm.s32 @p0 $0x3  }
0x78: {  	_ =	swait.ge @p0 [sflag:s19], $0x2000  }
0x79: {  	[sflag:s19] =	ssyncset.done @p0 $0x0  }
0x7a: {  	[sflag:s19] =	ssyncadd.s32 @p0 $0xFFFFE000;
	s19 =	simm.s32 @!p0 $0x5  }
0x7b: {  	_ =	swait.ge @!p0 [sflag:s19], $0x2000  }
0x7c: {  	[sflag:s19] =	ssyncset.done @!p0 $0x0  }
0x7d: {  	[sflag:s19] =	ssyncadd.s32 @!p0 $0xFFFFE000;
	s19 =	sshra.s32 @!p0 s4, $0x2  }
0x7e: {  	s28 =	simm.s32 @!p0 $0x2800;
	s26 =	simm.s32 @!p0 $0x40;
	s22 =	sadd.s32 @!p0 $0x400, s19  }
0x7f: {  	[tilespmem:s28], [sflag:$0x1] =	stream.indirect.gather @!p0 [hbm4b:s2+s26], $0x80, s22, s26, $0xb8;
	[tilespmem:$0x1E800] =	vst v63  }
0x80: {  	s22 =	sadd.s32 @!p0 $0x1680, s19;
	s28 =	simm.s32 @!p0 $0x4800  }
0x81: {  	[spmem:s3] =	stream.indirect.scatter.add.f32 @!p0 [tilespmem:s28], [sflag:$0x6], $0x80, s22, s26, $0xb8;
	[tilespmem:$0x1E800] =	vst v63  }
0x82: {  	s22 =	simm.s32 @!p0 $0x3  }
0x83: {  	_ =	swait.ge @!p0 [sflag:s22], $0x2000  }
0x84: {  	[sflag:s22] =	ssyncset.done @!p0 $0x0  }
0x85: {  	[sflag:s22] =	ssyncadd.s32 @!p0 $0xFFFFE000;
	s22 =	simm.s32 @!p0 $0x6  }
0x86: {  	_ =	swait.ge @!p0 [sflag:s22], $0x2000  }
0x87: {  	[sflag:s22] =	ssyncset.done @!p0 $0x0  }
0x88: {  	s19 =	sadd.s32 @!p0 $0x480, s19;
	[sflag:s22] =	ssyncadd.s32 @!p0 $0xFFFFE000  }
0x89: {  	[tilespmem:s28], [sflag:$0x2] =	stream.indirect.gather @!p0 [hbm4b:s2+s26], $0x80, s19, s26, $0xb8;
	[tilespmem:$0x1E800] =	vst v63  }
.Ltmp4:
0x8a: {  	s28 =	sadd.s32 $0x1700, s17;
	(pc) =	sbr.rel @p0 .LBB2_5-.Ltmp4, $4  }
0x8b: {  	[spmem:s3] =	stream.indirect.scatter.add.f32 [tilespmem:s20], [sflag:$0x7], $0x80, s28, s15, $0xb8;
	[tilespmem:$0x1E800] =	vst v63  }
0x8c: {  	_ =	swait.ge [sflag:s1], $0x2000  }
0x8d: {  	[sflag:s1] =	ssyncset.done $0x0  }
0x8e: {  	s19 =	sadd.s32 $0x1780, s17;
	[sflag:s1] =	ssyncadd.s32 $0xFFFFE000  }
0x8f: {  	_ =	swait.ge [sflag:s7], $0x2000  }
.Ltmp5:
0x90: {  	[sflag:s7] =	ssyncset.done $0x0;
	(pc) =	sbr.rel .LBB2_3-.Ltmp5, $4  }
0x91: {  	s17 =	sadd.s32 $0x500, s17;
	[sflag:s7] =	ssyncadd.s32 $0xFFFFE000  }
0x92: {  	[tilespmem:s20], [sflag:$0x3] =	stream.indirect.gather [hbm4b:s2+s15], $0x80, s17, s15, $0xb8;
	[tilespmem:$0x1E800] =	vst v63  }
0x93: {  	s4 =	sadd.s32 $0x800, s4  }
0x94: {  	[spmem:s3] =	stream.indirect.scatter.add.f32 [tilespmem:s23], [sflag:$0x8], $0x80, s19, s15, $0xb8;
	[tilespmem:$0x1E800] =	vst v63  }
.LBB2_7:
0x95: {  	_ =	sfence.sel $0x180000  }
0x96: {  	[bflag:$0x0] =	sbarrier.arrive $0xFFFF  }
0x97: {  	_ =	strace $0x9000004A  }
0x98: {  	s0 =	stileid.u32;
	[bflag:$0x2] =	sbarrier.arrive $0xFFFF  }
0x99: {  	p0 =	sne.s32 s0, $0x0;
	s0 =	rddreg [dreg:$0x3]  }
0x9a: {  	s0 =	sadd.s32 @!p0 $0x100000, s0  }
0x9b: {  	[sflag:s0] =	ssyncadd.tile.s32 @!p0 $0x1;
	_ =	shalt  }
.Lfunc_end2:
_tile_overlayer_lowered:
.L_overlay_start_2:
0x9c: {  	(tag) =	ssettag $0x2  }
0x9d: {  	s0 =	rddreg [dreg:$0x0];
	s2 =	stileid.u32  }
0x9e: {  	s1 =	rddreg [dreg:$0x1];
	p0 =	sne.s32 s2, $0x0  }
0x9f: {  	s3 =	rddreg [dreg:$0x2];
	[bflag:$0x3] =	sbarrier.arrive $0xFFFF;
	s2 =	simm.s32 @!p0 $0x1C09  }
0xa0: {  	[timem:s3], [sflag:s2] =	dma.local @!p0 [hbm:s0], s1  }
0xa1: {  	s0 =	simm.s32 @!p0 $0x9  }
0xa2: {  	_ =	swait.ge @!p0 [sflag:s0], s1  }
0xa3: {  	s1 =	ssub.s32 @!p0 $0x0, s1;
	[sflag:s0] =	ssyncset.done @!p0 $0x0  }
0xa4: {  	[sflag:s0] =	ssyncadd.s32 @!p0 s1  }
0xa5: {  	[bflag:$0x3] =	sbarrier.arrive $0xFFFF  }
0xa6: {  	_ =	shalt  }

</sc_bundles>
